<compile_context>
chip_gen: v7x
topology: tpu7x:2x2x1
jax: 0.10.2.dev20260603
libtpu: 0.0.44.dev20260713+nightly
codegen_flags: <defaults>
</compile_context>

<pallas_src>
import functools

import jax
import jax.numpy as jnp
from jax import lax
from jax.experimental import pallas as pl
from jax.experimental.pallas import tpu as pltpu
from jax.experimental.pallas import tpu_sc as plsc

B, C, F = 1024, 1000, 20000

NC, NS, L = 2, 16, 16
NW = NC * NS
CHUNK = 128
PER_W = ((F + NW * CHUNK - 1) // (NW * CHUNK)) * CHUNK
N_CHUNKS = PER_W // CHUNK

C2 = 1024


def _tc_body(xt_ref, tt_ref, gp_ref, bce_ref):
    x = xt_ref[...]
    t = tt_ref[...]
    p = jax.nn.sigmoid(x)
    bce_ref[0, 0] = jnp.sum(
        jnp.maximum(x, 0.0) - x * t
        - jnp.log(jnp.where(x >= 0.0, p, 1.0 - p))
    )
    pz = jnp.concatenate([p, jnp.zeros((C2 - C, B), jnp.float32)], axis=0)
    s = jnp.sum(pz, axis=1)
    g = lax.dot_general(pz, pz, (((1,), (1,)), ((), ())),
                        preferred_element_type=jnp.float32)
    gp_ref[...] = (s[:, None] - g).reshape(C2 * C2 // 128, 128)


def _tc_stage(x, t):
    return pl.pallas_call(
        _tc_body,
        out_shape=(
            jax.ShapeDtypeStruct((C2 * C2 // 128, 128), jnp.float32),
            jax.ShapeDtypeStruct((1, 1), jnp.float32),
        ),
        out_specs=(
            pl.BlockSpec(memory_space=pltpu.VMEM),
            pl.BlockSpec(memory_space=pltpu.SMEM),
        ),
    )(x, t)


@functools.cache
def _make_sc_stage():
    mesh = plsc.VectorSubcoreMesh(core_axis_name="c", subcore_axis_name="s")

    @functools.partial(
        pl.kernel,
        mesh=mesh,
        out_type=jax.ShapeDtypeStruct((NW, L), jnp.float32),
        scratch_types=[
            pltpu.VMEM((PER_W,), jnp.int32),
            pltpu.VMEM((PER_W,), jnp.int32),
            pltpu.VMEM((N_CHUNKS, CHUNK), jnp.int32),
            pltpu.VMEM((N_CHUNKS, CHUNK), jnp.float32),
            pltpu.VMEM((L,), jnp.float32),
            pltpu.SemaphoreType.DMA,
        ],
    )
    def sc_kernel(fl_hbm, fr_hbm, gp_hbm, out_hbm,
                  fl_v, fr_v, idx_v, g_v, acc_v, sem):
        wid = lax.axis_index("s") * NC + lax.axis_index("c")
        base = wid * PER_W
        rbase = jnp.minimum(base, F - PER_W)
        pltpu.sync_copy(fl_hbm.at[pl.ds(rbase, PER_W)], fl_v)
        pltpu.sync_copy(fr_hbm.at[pl.ds(rbase, PER_W)], fr_v)
        copies = []
        for c in range(N_CHUNKS):
            for i in range(CHUNK // L):
                sl = pl.ds(c * CHUNK + i * L, L)
                idx_v[c, pl.ds(i * L, L)] = fl_v[sl] * C2 + fr_v[sl]
            copies.append(pltpu.async_copy(gp_hbm.at[idx_v.at[c]],
                                           g_v.at[c], sem))
        acc = jnp.zeros((L,), jnp.float32)
        lane = lax.broadcasted_iota(jnp.int32, (L,), 0)
        for c in range(N_CHUNKS):
            copies[c].wait()
            for i in range(CHUNK // L):
                pos = rbase + c * CHUNK + i * L + lane
                v = g_v[c, pl.ds(i * L, L)]
                acc = acc + jnp.where(pos >= base, v, 0.0)
        acc_v[...] = acc
        pltpu.sync_copy(acc_v, out_hbm.at[wid])

    return sc_kernel


def kernel(input, target, filter_l, filter_r):
    gp, bce = _tc_stage(input.T, target.T)
    partials = _make_sc_stage()(filter_l.astype(jnp.int32),
                                filter_r.astype(jnp.int32),
                                gp.reshape(C2 * C2))
    implication = jnp.sum(partials) / B
    return bce[0, 0] / (B * C) + 0.01 * implication

# --- scband reference (transcript-rebuilt; emitter-appended) ---
"""Pipeline reference for scband-implication-loss-29205777613556 (READ-ONLY COPY).

The authoritative reference and input builder live on the scoring server;
editing this copy changes nothing except your own understanding.
"""

import jax, jax.numpy as jnp
import numpy as np


def _bce_with_logits_mean(x, t):
    # numerically stable BCEWithLogitsLoss (mean reduction), matching torch.nn.BCEWithLogitsLoss
    return jnp.mean(jnp.maximum(x, 0.0) - x * t + jnp.log1p(jnp.exp(-jnp.abs(x))))


def setup_inputs(seed: int = 0) -> dict:
    key = jax.random.key(seed)
    k1, k2, k3, k4 = jax.random.split(key, 4)
    B, C, F = 1024, 1000, 20000
    inp = jax.random.normal(k1, (B, C), dtype=jnp.float32)
    target = jax.random.uniform(k2, (B, C), dtype=jnp.float32)
    filter_l = jax.random.randint(k3, (F,), 0, C, dtype=jnp.int64 if jax.config.jax_enable_x64 else jnp.int32)
    filter_r = jax.random.randint(k4, (F,), 0, C, dtype=jnp.int64 if jax.config.jax_enable_x64 else jnp.int32)
    return {"input": inp, "target": target, "filter_l": filter_l, "filter_r": filter_r}


def reference(input, target, filter_l, filter_r):
    # base_loss = BCEWithLogitsLoss()(input, target.float())
    base_loss = _bce_with_logits_mean(input, target)
    # pred = torch.sigmoid(input)
    pred = jax.nn.sigmoid(input)
    # l = pred[:, implication_filter_l]; r = pred[:, implication_filter_r]
    l = jnp.take(pred, filter_l, axis=1)
    r = jnp.take(pred, filter_r, axis=1)
    # tnorm == 'product': individual_loss = l * (1 - r)
    individual_loss = l * (1.0 - r)
    implication_loss = jnp.mean(jnp.sum(individual_loss, axis=-1), axis=0)
    return base_loss + 0.01 * implication_loss

if __name__ == "__main__":
    import jax
    _d = setup_inputs()
    print(jax.jit(kernel)(*tuple(_d.values())))

</pallas_src>

<mosaic_0001>
#map = affine_map<(d0, d1) -> (0)>
#map1 = affine_map<(d0, d1) -> (0, 0)>
module attributes {stable_mosaic.version = 14 : i64} {
  func.func @sc_kernel(%arg0: i32, %arg1: i32, %arg2: memref<20000xi32, #tpu.memory_space<hbm>>, %arg3: memref<20000xi32, #tpu.memory_space<hbm>>, %arg4: memref<1048576xf32, #tpu.memory_space<hbm>>, %arg5: memref<32x16xf32, #tpu.memory_space<hbm>>, %arg6: memref<640xi32, #tpu.memory_space<vmem>>, %arg7: memref<640xi32, #tpu.memory_space<vmem>>, %arg8: memref<5x128xi32, #tpu.memory_space<vmem>>, %arg9: memref<5x128xf32, #tpu.memory_space<vmem>>, %arg10: memref<16xf32, #tpu.memory_space<vmem>>, %arg11: memref<!tpu.dma_semaphore, #tpu.memory_space<semaphore_mem>>) attributes {dimension_semantics = [#tpu.dimension_semantics<core_parallel>, #tpu.dimension_semantics<subcore_parallel>], iteration_bounds = array<i64: 2, 16>, scalar_prefetch = 0 : i64, scratch_operands = 6 : i64, tpu.core_type = #tpu.core_type<sc_vector_subcore>, window_params = [{transform_indices = #map}, {transform_indices = #map}, {transform_indices = #map}, {transform_indices = #map1}]} {
    %mul3A = arith.constant 2 : i32
    %mul3A_0 = arith.muli %arg1, %mul3A : i32
    %add3A = arith.addi %mul3A_0, %arg0 : i32
    %mul3A_1 = arith.constant 640 : i32
    %mul3A_2 = arith.muli %add3A, %mul3A_1 : i32
    %min3A = arith.constant 19360 : i32
    %min3A_3 = arith.minsi %mul3A_2, %min3A : i32
    "tpu.region"() ({
      %run_scoped3A = tpu.sem_alloc : memref<!tpu.dma_semaphore, #tpu.memory_space<semaphore_mem>>
      %dma_start3A_1422 = tpu.memref_slice %arg2[%min3A_3] : memref<20000xi32, #tpu.memory_space<hbm>> -> memref<640xi32, #tpu.memory_space<hbm>>
      %dma_start3A_1423 = tpu.memref_slice %arg2[%min3A_3] : memref<20000xi32, #tpu.memory_space<hbm>> -> memref<640xi32, #tpu.memory_space<hbm>>
      tpu.enqueue_dma source(%dma_start3A_1423 : memref<640xi32, #tpu.memory_space<hbm>>) target(%arg6 : memref<640xi32, #tpu.memory_space<vmem>>) target_semaphore(%run_scoped3A : memref<!tpu.dma_semaphore, #tpu.memory_space<semaphore_mem>>)
      %dma_wait3A_1424 = tpu.memref_slice %arg2[%min3A_3] : memref<20000xi32, #tpu.memory_space<hbm>> -> memref<640xi32, #tpu.memory_space<hbm>>
      %dma_wait3A_1425 = tpu.memref_slice %arg2[%min3A_3] : memref<20000xi32, #tpu.memory_space<hbm>> -> memref<640xi32, #tpu.memory_space<hbm>>
      tpu.wait_dma2 semaphore(%run_scoped3A : memref<!tpu.dma_semaphore, #tpu.memory_space<semaphore_mem>>) src(%dma_wait3A_1425 : memref<640xi32, #tpu.memory_space<hbm>>) dst(%arg6 : memref<640xi32, #tpu.memory_space<vmem>>)
      tpu.yield
    }) : () -> ()
    "tpu.region"() ({
      %run_scoped3A = tpu.sem_alloc : memref<!tpu.dma_semaphore, #tpu.memory_space<semaphore_mem>>
      %dma_start3A_1422 = tpu.memref_slice %arg3[%min3A_3] : memref<20000xi32, #tpu.memory_space<hbm>> -> memref<640xi32, #tpu.memory_space<hbm>>
      %dma_start3A_1423 = tpu.memref_slice %arg3[%min3A_3] : memref<20000xi32, #tpu.memory_space<hbm>> -> memref<640xi32, #tpu.memory_space<hbm>>
      tpu.enqueue_dma source(%dma_start3A_1423 : memref<640xi32, #tpu.memory_space<hbm>>) target(%arg7 : memref<640xi32, #tpu.memory_space<vmem>>) target_semaphore(%run_scoped3A : memref<!tpu.dma_semaphore, #tpu.memory_space<semaphore_mem>>)
      %dma_wait3A_1424 = tpu.memref_slice %arg3[%min3A_3] : memref<20000xi32, #tpu.memory_space<hbm>> -> memref<640xi32, #tpu.memory_space<hbm>>
      %dma_wait3A_1425 = tpu.memref_slice %arg3[%min3A_3] : memref<20000xi32, #tpu.memory_space<hbm>> -> memref<640xi32, #tpu.memory_space<hbm>>
      tpu.wait_dma2 semaphore(%run_scoped3A : memref<!tpu.dma_semaphore, #tpu.memory_space<semaphore_mem>>) src(%dma_wait3A_1425 : memref<640xi32, #tpu.memory_space<hbm>>) dst(%arg7 : memref<640xi32, #tpu.memory_space<vmem>>)
      tpu.yield
    }) : () -> ()
    %get3A = arith.constant 0 : index
    %get3A_4 = tpu.vector_load %arg6[%get3A] {strides = array<i32>} : memref<640xi32, #tpu.memory_space<vmem>>, vector<16xi32>,
    %get3A_5 = vector.shape_cast %get3A_4 : vector<16xi32> to vector<16xi32>
    %mul3A_6 = arith.constant 1024 : i32
    %mul3A_7 = vector.broadcast %mul3A_6 : i32 to vector<16xi32>
    %mul3A_8 = arith.muli %get3A_5, %mul3A_7 : vector<16xi32>
    %get3A_9 = arith.constant 0 : index
    %get3A_10 = tpu.vector_load %arg7[%get3A_9] {strides = array<i32>} : memref<640xi32, #tpu.memory_space<vmem>>, vector<16xi32>,
    %get3A_11 = vector.shape_cast %get3A_10 : vector<16xi32> to vector<16xi32>
    %add3A_12 = arith.addi %mul3A_8, %get3A_11 : vector<16xi32>
    %swap3A = arith.constant 0 : i32
    %swap3A_13 = arith.index_cast %swap3A : i32 to index
    %swap3A_14 = arith.constant 0 : index
    %swap3A_15 = tpu.vector_load %arg8[%swap3A_13, %swap3A_14] {strides = array<i32>} : memref<5x128xi32, #tpu.memory_space<vmem>>, vector<1x16xi32>,
    %swap3A_16 = vector.shape_cast %swap3A_15 : vector<1x16xi32> to vector<16xi32>
    %swap3A_17 = vector.shape_cast %add3A_12 : vector<16xi32> to vector<1x16xi32>
    tpu.vector_store %arg8[%swap3A_13, %swap3A_14], %swap3A_17 {strides = array<i32>} : memref<5x128xi32, #tpu.memory_space<vmem>>, vector<1x16xi32>,
    %get3A_18 = arith.constant 16 : index
    %get3A_19 = tpu.vector_load %arg6[%get3A_18] {strides = array<i32>} : memref<640xi32, #tpu.memory_space<vmem>>, vector<16xi32>,
    %get3A_20 = vector.shape_cast %get3A_19 : vector<16xi32> to vector<16xi32>
    %mul3A_21 = arith.constant 1024 : i32
    %mul3A_22 = vector.broadcast %mul3A_21 : i32 to vector<16xi32>
    %mul3A_23 = arith.muli %get3A_20, %mul3A_22 : vector<16xi32>
    %get3A_24 = arith.constant 16 : index
    %get3A_25 = tpu.vector_load %arg7[%get3A_24] {strides = array<i32>} : memref<640xi32, #tpu.memory_space<vmem>>, vector<16xi32>,
    %get3A_26 = vector.shape_cast %get3A_25 : vector<16xi32> to vector<16xi32>
    %add3A_27 = arith.addi %mul3A_23, %get3A_26 : vector<16xi32>
    %swap3A_28 = arith.constant 0 : i32
    %swap3A_29 = arith.index_cast %swap3A_28 : i32 to index
    %swap3A_30 = arith.constant 16 : index
    %swap3A_31 = tpu.vector_load %arg8[%swap3A_29, %swap3A_30] {strides = array<i32>} : memref<5x128xi32, #tpu.memory_space<vmem>>, vector<1x16xi32>,
    %swap3A_32 = vector.shape_cast %swap3A_31 : vector<1x16xi32> to vector<16xi32>
    %swap3A_33 = vector.shape_cast %add3A_27 : vector<16xi32> to vector<1x16xi32>
    tpu.vector_store %arg8[%swap3A_29, %swap3A_30], %swap3A_33 {strides = array<i32>} : memref<5x128xi32, #tpu.memory_space<vmem>>, vector<1x16xi32>,
    %get3A_34 = arith.constant 32 : index
    %get3A_35 = tpu.vector_load %arg6[%get3A_34] {strides = array<i32>} : memref<640xi32, #tpu.memory_space<vmem>>, vector<16xi32>,
    %get3A_36 = vector.shape_cast %get3A_35 : vector<16xi32> to vector<16xi32>
    %mul3A_37 = arith.constant 1024 : i32
    %mul3A_38 = vector.broadcast %mul3A_37 : i32 to vector<16xi32>
    %mul3A_39 = arith.muli %get3A_36, %mul3A_38 : vector<16xi32>
    %get3A_40 = arith.constant 32 : index
    %get3A_41 = tpu.vector_load %arg7[%get3A_40] {strides = array<i32>} : memref<640xi32, #tpu.memory_space<vmem>>, vector<16xi32>,
    %get3A_42 = vector.shape_cast %get3A_41 : vector<16xi32> to vector<16xi32>
    %add3A_43 = arith.addi %mul3A_39, %get3A_42 : vector<16xi32>
    %swap3A_44 = arith.constant 0 : i32
    %swap3A_45 = arith.index_cast %swap3A_44 : i32 to index
    %swap3A_46 = arith.constant 32 : index
    %swap3A_47 = tpu.vector_load %arg8[%swap3A_45, %swap3A_46] {strides = array<i32>} : memref<5x128xi32, #tpu.memory_space<vmem>>, vector<1x16xi32>,
    %swap3A_48 = vector.shape_cast %swap3A_47 : vector<1x16xi32> to vector<16xi32>
    %swap3A_49 = vector.shape_cast %add3A_43 : vector<16xi32> to vector<1x16xi32>
    tpu.vector_store %arg8[%swap3A_45, %swap3A_46], %swap3A_49 {strides = array<i32>} : memref<5x128xi32, #tpu.memory_space<vmem>>, vector<1x16xi32>,
    %get3A_50 = arith.constant 48 : index
    %get3A_51 = tpu.vector_load %arg6[%get3A_50] {strides = array<i32>} : memref<640xi32, #tpu.memory_space<vmem>>, vector<16xi32>,
    %get3A_52 = vector.shape_cast %get3A_51 : vector<16xi32> to vector<16xi32>
    %mul3A_53 = arith.constant 1024 : i32
    %mul3A_54 = vector.broadcast %mul3A_53 : i32 to vector<16xi32>
    %mul3A_55 = arith.muli %get3A_52, %mul3A_54 : vector<16xi32>
    %get3A_56 = arith.constant 48 : index
    %get3A_57 = tpu.vector_load %arg7[%get3A_56] {strides = array<i32>} : memref<640xi32, #tpu.memory_space<vmem>>, vector<16xi32>,
    %get3A_58 = vector.shape_cast %get3A_57 : vector<16xi32> to vector<16xi32>
    %add3A_59 = arith.addi %mul3A_55, %get3A_58 : vector<16xi32>
    %swap3A_60 = arith.constant 0 : i32
    %swap3A_61 = arith.index_cast %swap3A_60 : i32 to index
    %swap3A_62 = arith.constant 48 : index
    %swap3A_63 = tpu.vector_load %arg8[%swap3A_61, %swap3A_62] {strides = array<i32>} : memref<5x128xi32, #tpu.memory_space<vmem>>, vector<1x16xi32>,
    %swap3A_64 = vector.shape_cast %swap3A_63 : vector<1x16xi32> to vector<16xi32>
    %swap3A_65 = vector.shape_cast %add3A_59 : vector<16xi32> to vector<1x16xi32>
    tpu.vector_store %arg8[%swap3A_61, %swap3A_62], %swap3A_65 {strides = array<i32>} : memref<5x128xi32, #tpu.memory_space<vmem>>, vector<1x16xi32>,
    %get3A_66 = arith.constant 64 : index
    %get3A_67 = tpu.vector_load %arg6[%get3A_66] {strides = array<i32>} : memref<640xi32, #tpu.memory_space<vmem>>, vector<16xi32>,
    %get3A_68 = vector.shape_cast %get3A_67 : vector<16xi32> to vector<16xi32>
    %mul3A_69 = arith.constant 1024 : i32
    %mul3A_70 = vector.broadcast %mul3A_69 : i32 to vector<16xi32>
    %mul3A_71 = arith.muli %get3A_68, %mul3A_70 : vector<16xi32>
    %get3A_72 = arith.constant 64 : index
    %get3A_73 = tpu.vector_load %arg7[%get3A_72] {strides = array<i32>} : memref<640xi32, #tpu.memory_space<vmem>>, vector<16xi32>,
    %get3A_74 = vector.shape_cast %get3A_73 : vector<16xi32> to vector<16xi32>
    %add3A_75 = arith.addi %mul3A_71, %get3A_74 : vector<16xi32>
    %swap3A_76 = arith.constant 0 : i32
    %swap3A_77 = arith.index_cast %swap3A_76 : i32 to index
    %swap3A_78 = arith.constant 64 : index
    %swap3A_79 = tpu.vector_load %arg8[%swap3A_77, %swap3A_78] {strides = array<i32>} : memref<5x128xi32, #tpu.memory_space<vmem>>, vector<1x16xi32>,
    %swap3A_80 = vector.shape_cast %swap3A_79 : vector<1x16xi32> to vector<16xi32>
    %swap3A_81 = vector.shape_cast %add3A_75 : vector<16xi32> to vector<1x16xi32>
    tpu.vector_store %arg8[%swap3A_77, %swap3A_78], %swap3A_81 {strides = array<i32>} : memref<5x128xi32, #tpu.memory_space<vmem>>, vector<1x16xi32>,
    %get3A_82 = arith.constant 80 : index
    %get3A_83 = tpu.vector_load %arg6[%get3A_82] {strides = array<i32>} : memref<640xi32, #tpu.memory_space<vmem>>, vector<16xi32>,
    %get3A_84 = vector.shape_cast %get3A_83 : vector<16xi32> to vector<16xi32>
    %mul3A_85 = arith.constant 1024 : i32
    %mul3A_86 = vector.broadcast %mul3A_85 : i32 to vector<16xi32>
    %mul3A_87 = arith.muli %get3A_84, %mul3A_86 : vector<16xi32>
    %get3A_88 = arith.constant 80 : index
    %get3A_89 = tpu.vector_load %arg7[%get3A_88] {strides = array<i32>} : memref<640xi32, #tpu.memory_space<vmem>>, vector<16xi32>,
    %get3A_90 = vector.shape_cast %get3A_89 : vector<16xi32> to vector<16xi32>
    %add3A_91 = arith.addi %mul3A_87, %get3A_90 : vector<16xi32>
    %swap3A_92 = arith.constant 0 : i32
    %swap3A_93 = arith.index_cast %swap3A_92 : i32 to index
    %swap3A_94 = arith.constant 80 : index
    %swap3A_95 = tpu.vector_load %arg8[%swap3A_93, %swap3A_94] {strides = array<i32>} : memref<5x128xi32, #tpu.memory_space<vmem>>, vector<1x16xi32>,
    %swap3A_96 = vector.shape_cast %swap3A_95 : vector<1x16xi32> to vector<16xi32>
    %swap3A_97 = vector.shape_cast %add3A_91 : vector<16xi32> to vector<1x16xi32>
    tpu.vector_store %arg8[%swap3A_93, %swap3A_94], %swap3A_97 {strides = array<i32>} : memref<5x128xi32, #tpu.memory_space<vmem>>, vector<1x16xi32>,
    %get3A_98 = arith.constant 96 : index
    %get3A_99 = tpu.vector_load %arg6[%get3A_98] {strides = array<i32>} : memref<640xi32, #tpu.memory_space<vmem>>, vector<16xi32>,
    %get3A_100 = vector.shape_cast %get3A_99 : vector<16xi32> to vector<16xi32>
    %mul3A_101 = arith.constant 1024 : i32
    %mul3A_102 = vector.broadcast %mul3A_101 : i32 to vector<16xi32>
    %mul3A_103 = arith.muli %get3A_100, %mul3A_102 : vector<16xi32>
    %get3A_104 = arith.constant 96 : index
    %get3A_105 = tpu.vector_load %arg7[%get3A_104] {strides = array<i32>} : memref<640xi32, #tpu.memory_space<vmem>>, vector<16xi32>,
    %get3A_106 = vector.shape_cast %get3A_105 : vector<16xi32> to vector<16xi32>
    %add3A_107 = arith.addi %mul3A_103, %get3A_106 : vector<16xi32>
    %swap3A_108 = arith.constant 0 : i32
    %swap3A_109 = arith.index_cast %swap3A_108 : i32 to index
    %swap3A_110 = arith.constant 96 : index
    %swap3A_111 = tpu.vector_load %arg8[%swap3A_109, %swap3A_110] {strides = array<i32>} : memref<5x128xi32, #tpu.memory_space<vmem>>, vector<1x16xi32>,
    %swap3A_112 = vector.shape_cast %swap3A_111 : vector<1x16xi32> to vector<16xi32>
    %swap3A_113 = vector.shape_cast %add3A_107 : vector<16xi32> to vector<1x16xi32>
    tpu.vector_store %arg8[%swap3A_109, %swap3A_110], %swap3A_113 {strides = array<i32>} : memref<5x128xi32, #tpu.memory_space<vmem>>, vector<1x16xi32>,
    %get3A_114 = arith.constant 112 : index
    %get3A_115 = tpu.vector_load %arg6[%get3A_114] {strides = array<i32>} : memref<640xi32, #tpu.memory_space<vmem>>, vector<16xi32>,
    %get3A_116 = vector.shape_cast %get3A_115 : vector<16xi32> to vector<16xi32>
    %mul3A_117 = arith.constant 1024 : i32
    %mul3A_118 = vector.broadcast %mul3A_117 : i32 to vector<16xi32>
    %mul3A_119 = arith.muli %get3A_116, %mul3A_118 : vector<16xi32>
    %get3A_120 = arith.constant 112 : index
    %get3A_121 = tpu.vector_load %arg7[%get3A_120] {strides = array<i32>} : memref<640xi32, #tpu.memory_space<vmem>>, vector<16xi32>,
    %get3A_122 = vector.shape_cast %get3A_121 : vector<16xi32> to vector<16xi32>
    %add3A_123 = arith.addi %mul3A_119, %get3A_122 : vector<16xi32>
    %swap3A_124 = arith.constant 0 : i32
    %swap3A_125 = arith.index_cast %swap3A_124 : i32 to index
    %swap3A_126 = arith.constant 112 : index
    %swap3A_127 = tpu.vector_load %arg8[%swap3A_125, %swap3A_126] {strides = array<i32>} : memref<5x128xi32, #tpu.memory_space<vmem>>, vector<1x16xi32>,
    %swap3A_128 = vector.shape_cast %swap3A_127 : vector<1x16xi32> to vector<16xi32>
    %swap3A_129 = vector.shape_cast %add3A_123 : vector<16xi32> to vector<1x16xi32>
    tpu.vector_store %arg8[%swap3A_125, %swap3A_126], %swap3A_129 {strides = array<i32>} : memref<5x128xi32, #tpu.memory_space<vmem>>, vector<1x16xi32>,
    %dma_start3A = arith.constant 0 : i32
    %dma_start3A_130 = arith.constant 0 : i32
    %dma_start3A_131 = arith.constant 0 : i32
    %dma_start3A_132 = tpu.memref_slice %arg9[%dma_start3A_130, %dma_start3A_131] : memref<5x128xf32, #tpu.memory_space<vmem>> -> memref<1x128xf32, #tpu.memory_space<vmem>>
    %dma_start3A_133 = tpu.memref_squeeze %dma_start3A_132 : memref<1x128xf32, #tpu.memory_space<vmem>> -> memref<128xf32, #tpu.memory_space<vmem>>
    %dma_start3A_134 = arith.constant 0 : i32
    %dma_start3A_135 = tpu.memref_slice %arg8[%dma_start3A, %dma_start3A_134] : memref<5x128xi32, #tpu.memory_space<vmem>> -> memref<1x128xi32, #tpu.memory_space<vmem>>
    %dma_start3A_136 = tpu.memref_squeeze %dma_start3A_135 : memref<1x128xi32, #tpu.memory_space<vmem>> -> memref<128xi32, #tpu.memory_space<vmem>>
    %dma_start3A_137 = arith.constant 0 : i32
    %dma_start3A_138 = tpu.memref_slice %arg4[%dma_start3A_137] : memref<1048576xf32, #tpu.memory_space<hbm>> -> memref<1048576xf32, #tpu.memory_space<hbm>>
    tpu.enqueue_indirect_dma source(%dma_start3A_138 : memref<1048576xf32, #tpu.memory_space<hbm>>) target(%dma_start3A_133 : memref<128xf32, #tpu.memory_space<vmem>>) offsets(%dma_start3A_136 : memref<128xi32, #tpu.memory_space<vmem>>) semaphore(%arg11 : memref<!tpu.dma_semaphore, #tpu.memory_space<semaphore_mem>>)
    %get3A_139 = arith.constant 128 : index
    %get3A_140 = tpu.vector_load %arg6[%get3A_139] {strides = array<i32>} : memref<640xi32, #tpu.memory_space<vmem>>, vector<16xi32>,
    %get3A_141 = vector.shape_cast %get3A_140 : vector<16xi32> to vector<16xi32>
    %mul3A_142 = arith.constant 1024 : i32
    %mul3A_143 = vector.broadcast %mul3A_142 : i32 to vector<16xi32>
    %mul3A_144 = arith.muli %get3A_141, %mul3A_143 : vector<16xi32>
    %get3A_145 = arith.constant 128 : index
    %get3A_146 = tpu.vector_load %arg7[%get3A_145] {strides = array<i32>} : memref<640xi32, #tpu.memory_space<vmem>>, vector<16xi32>,
    %get3A_147 = vector.shape_cast %get3A_146 : vector<16xi32> to vector<16xi32>
    %add3A_148 = arith.addi %mul3A_144, %get3A_147 : vector<16xi32>
    %swap3A_149 = arith.constant 1 : i32
    %swap3A_150 = arith.index_cast %swap3A_149 : i32 to index
    %swap3A_151 = arith.constant 0 : index
    %swap3A_152 = tpu.vector_load %arg8[%swap3A_150, %swap3A_151] {strides = array<i32>} : memref<5x128xi32, #tpu.memory_space<vmem>>, vector<1x16xi32>,
    %swap3A_153 = vector.shape_cast %swap3A_152 : vector<1x16xi32> to vector<16xi32>
    %swap3A_154 = vector.shape_cast %add3A_148 : vector<16xi32> to vector<1x16xi32>
    tpu.vector_store %arg8[%swap3A_150, %swap3A_151], %swap3A_154 {strides = array<i32>} : memref<5x128xi32, #tpu.memory_space<vmem>>, vector<1x16xi32>,
    %get3A_155 = arith.constant 144 : index
    %get3A_156 = tpu.vector_load %arg6[%get3A_155] {strides = array<i32>} : memref<640xi32, #tpu.memory_space<vmem>>, vector<16xi32>,
    %get3A_157 = vector.shape_cast %get3A_156 : vector<16xi32> to vector<16xi32>
    %mul3A_158 = arith.constant 1024 : i32
    %mul3A_159 = vector.broadcast %mul3A_158 : i32 to vector<16xi32>
    %mul3A_160 = arith.muli %get3A_157, %mul3A_159 : vector<16xi32>
    %get3A_161 = arith.constant 144 : index
    %get3A_162 = tpu.vector_load %arg7[%get3A_161] {strides = array<i32>} : memref<640xi32, #tpu.memory_space<vmem>>, vector<16xi32>,
    %get3A_163 = vector.shape_cast %get3A_162 : vector<16xi32> to vector<16xi32>
    %add3A_164 = arith.addi %mul3A_160, %get3A_163 : vector<16xi32>
    %swap3A_165 = arith.constant 1 : i32
    %swap3A_166 = arith.index_cast %swap3A_165 : i32 to index
    %swap3A_167 = arith.constant 16 : index
    %swap3A_168 = tpu.vector_load %arg8[%swap3A_166, %swap3A_167] {strides = array<i32>} : memref<5x128xi32, #tpu.memory_space<vmem>>, vector<1x16xi32>,
    %swap3A_169 = vector.shape_cast %swap3A_168 : vector<1x16xi32> to vector<16xi32>
    %swap3A_170 = vector.shape_cast %add3A_164 : vector<16xi32> to vector<1x16xi32>
    tpu.vector_store %arg8[%swap3A_166, %swap3A_167], %swap3A_170 {strides = array<i32>} : memref<5x128xi32, #tpu.memory_space<vmem>>, vector<1x16xi32>,
    %get3A_171 = arith.constant 160 : index
    %get3A_172 = tpu.vector_load %arg6[%get3A_171] {strides = array<i32>} : memref<640xi32, #tpu.memory_space<vmem>>, vector<16xi32>,
    %get3A_173 = vector.shape_cast %get3A_172 : vector<16xi32> to vector<16xi32>
    %mul3A_174 = arith.constant 1024 : i32
    %mul3A_175 = vector.broadcast %mul3A_174 : i32 to vector<16xi32>
    %mul3A_176 = arith.muli %get3A_173, %mul3A_175 : vector<16xi32>
    %get3A_177 = arith.constant 160 : index
    %get3A_178 = tpu.vector_load %arg7[%get3A_177] {strides = array<i32>} : memref<640xi32, #tpu.memory_space<vmem>>, vector<16xi32>,
    %get3A_179 = vector.shape_cast %get3A_178 : vector<16xi32> to vector<16xi32>
    %add3A_180 = arith.addi %mul3A_176, %get3A_179 : vector<16xi32>
    %swap3A_181 = arith.constant 1 : i32
    %swap3A_182 = arith.index_cast %swap3A_181 : i32 to index
    %swap3A_183 = arith.constant 32 : index
    %swap3A_184 = tpu.vector_load %arg8[%swap3A_182, %swap3A_183] {strides = array<i32>} : memref<5x128xi32, #tpu.memory_space<vmem>>, vector<1x16xi32>,
    %swap3A_185 = vector.shape_cast %swap3A_184 : vector<1x16xi32> to vector<16xi32>
    %swap3A_186 = vector.shape_cast %add3A_180 : vector<16xi32> to vector<1x16xi32>
    tpu.vector_store %arg8[%swap3A_182, %swap3A_183], %swap3A_186 {strides = array<i32>} : memref<5x128xi32, #tpu.memory_space<vmem>>, vector<1x16xi32>,
    %get3A_187 = arith.constant 176 : index
    %get3A_188 = tpu.vector_load %arg6[%get3A_187] {strides = array<i32>} : memref<640xi32, #tpu.memory_space<vmem>>, vector<16xi32>,
    %get3A_189 = vector.shape_cast %get3A_188 : vector<16xi32> to vector<16xi32>
    %mul3A_190 = arith.constant 1024 : i32
    %mul3A_191 = vector.broadcast %mul3A_190 : i32 to vector<16xi32>
    %mul3A_192 = arith.muli %get3A_189, %mul3A_191 : vector<16xi32>
    %get3A_193 = arith.constant 176 : index
    %get3A_194 = tpu.vector_load %arg7[%get3A_193] {strides = array<i32>} : memref<640xi32, #tpu.memory_space<vmem>>, vector<16xi32>,
    %get3A_195 = vector.shape_cast %get3A_194 : vector<16xi32> to vector<16xi32>
    %add3A_196 = arith.addi %mul3A_192, %get3A_195 : vector<16xi32>
    %swap3A_197 = arith.constant 1 : i32
    %swap3A_198 = arith.index_cast %swap3A_197 : i32 to index
    %swap3A_199 = arith.constant 48 : index
    %swap3A_200 = tpu.vector_load %arg8[%swap3A_198, %swap3A_199] {strides = array<i32>} : memref<5x128xi32, #tpu.memory_space<vmem>>, vector<1x16xi32>,
    %swap3A_201 = vector.shape_cast %swap3A_200 : vector<1x16xi32> to vector<16xi32>
    %swap3A_202 = vector.shape_cast %add3A_196 : vector<16xi32> to vector<1x16xi32>
    tpu.vector_store %arg8[%swap3A_198, %swap3A_199], %swap3A_202 {strides = array<i32>} : memref<5x128xi32, #tpu.memory_space<vmem>>, vector<1x16xi32>,
    %get3A_203 = arith.constant 192 : index
    %get3A_204 = tpu.vector_load %arg6[%get3A_203] {strides = array<i32>} : memref<640xi32, #tpu.memory_space<vmem>>, vector<16xi32>,
    %get3A_205 = vector.shape_cast %get3A_204 : vector<16xi32> to vector<16xi32>
    %mul3A_206 = arith.constant 1024 : i32
    %mul3A_207 = vector.broadcast %mul3A_206 : i32 to vector<16xi32>
    %mul3A_208 = arith.muli %get3A_205, %mul3A_207 : vector<16xi32>
    %get3A_209 = arith.constant 192 : index
    %get3A_210 = tpu.vector_load %arg7[%get3A_209] {strides = array<i32>} : memref<640xi32, #tpu.memory_space<vmem>>, vector<16xi32>,
    %get3A_211 = vector.shape_cast %get3A_210 : vector<16xi32> to vector<16xi32>
    %add3A_212 = arith.addi %mul3A_208, %get3A_211 : vector<16xi32>
    %swap3A_213 = arith.constant 1 : i32
    %swap3A_214 = arith.index_cast %swap3A_213 : i32 to index
    %swap3A_215 = arith.constant 64 : index
    %swap3A_216 = tpu.vector_load %arg8[%swap3A_214, %swap3A_215] {strides = array<i32>} : memref<5x128xi32, #tpu.memory_space<vmem>>, vector<1x16xi32>,
    %swap3A_217 = vector.shape_cast %swap3A_216 : vector<1x16xi32> to vector<16xi32>
    %swap3A_218 = vector.shape_cast %add3A_212 : vector<16xi32> to vector<1x16xi32>
    tpu.vector_store %arg8[%swap3A_214, %swap3A_215], %swap3A_218 {strides = array<i32>} : memref<5x128xi32, #tpu.memory_space<vmem>>, vector<1x16xi32>,
    %get3A_219 = arith.constant 208 : index
    %get3A_220 = tpu.vector_load %arg6[%get3A_219] {strides = array<i32>} : memref<640xi32, #tpu.memory_space<vmem>>, vector<16xi32>,
    %get3A_221 = vector.shape_cast %get3A_220 : vector<16xi32> to vector<16xi32>
    %mul3A_222 = arith.constant 1024 : i32
    %mul3A_223 = vector.broadcast %mul3A_222 : i32 to vector<16xi32>
    %mul3A_224 = arith.muli %get3A_221, %mul3A_223 : vector<16xi32>
    %get3A_225 = arith.constant 208 : index
    %get3A_226 = tpu.vector_load %arg7[%get3A_225] {strides = array<i32>} : memref<640xi32, #tpu.memory_space<vmem>>, vector<16xi32>,
    %get3A_227 = vector.shape_cast %get3A_226 : vector<16xi32> to vector<16xi32>
    %add3A_228 = arith.addi %mul3A_224, %get3A_227 : vector<16xi32>
    %swap3A_229 = arith.constant 1 : i32
    %swap3A_230 = arith.index_cast %swap3A_229 : i32 to index
    %swap3A_231 = arith.constant 80 : index
    %swap3A_232 = tpu.vector_load %arg8[%swap3A_230, %swap3A_231] {strides = array<i32>} : memref<5x128xi32, #tpu.memory_space<vmem>>, vector<1x16xi32>,
    %swap3A_233 = vector.shape_cast %swap3A_232 : vector<1x16xi32> to vector<16xi32>
    %swap3A_234 = vector.shape_cast %add3A_228 : vector<16xi32> to vector<1x16xi32>
    tpu.vector_store %arg8[%swap3A_230, %swap3A_231], %swap3A_234 {strides = array<i32>} : memref<5x128xi32, #tpu.memory_space<vmem>>, vector<1x16xi32>,
    %get3A_235 = arith.constant 224 : index
    %get3A_236 = tpu.vector_load %arg6[%get3A_235] {strides = array<i32>} : memref<640xi32, #tpu.memory_space<vmem>>, vector<16xi32>,
    %get3A_237 = vector.shape_cast %get3A_236 : vector<16xi32> to vector<16xi32>
    %mul3A_238 = arith.constant 1024 : i32
    %mul3A_239 = vector.broadcast %mul3A_238 : i32 to vector<16xi32>
    %mul3A_240 = arith.muli %get3A_237, %mul3A_239 : vector<16xi32>
    %get3A_241 = arith.constant 224 : index
    %get3A_242 = tpu.vector_load %arg7[%get3A_241] {strides = array<i32>} : memref<640xi32, #tpu.memory_space<vmem>>, vector<16xi32>,
    %get3A_243 = vector.shape_cast %get3A_242 : vector<16xi32> to vector<16xi32>
    %add3A_244 = arith.addi %mul3A_240, %get3A_243 : vector<16xi32>
    %swap3A_245 = arith.constant 1 : i32
    %swap3A_246 = arith.index_cast %swap3A_245 : i32 to index
    %swap3A_247 = arith.constant 96 : index
    %swap3A_248 = tpu.vector_load %arg8[%swap3A_246, %swap3A_247] {strides = array<i32>} : memref<5x128xi32, #tpu.memory_space<vmem>>, vector<1x16xi32>,
    %swap3A_249 = vector.shape_cast %swap3A_248 : vector<1x16xi32> to vector<16xi32>
    %swap3A_250 = vector.shape_cast %add3A_244 : vector<16xi32> to vector<1x16xi32>
    tpu.vector_store %arg8[%swap3A_246, %swap3A_247], %swap3A_250 {strides = array<i32>} : memref<5x128xi32, #tpu.memory_space<vmem>>, vector<1x16xi32>,
    %get3A_251 = arith.constant 240 : index
    %get3A_252 = tpu.vector_load %arg6[%get3A_251] {strides = array<i32>} : memref<640xi32, #tpu.memory_space<vmem>>, vector<16xi32>,
    %get3A_253 = vector.shape_cast %get3A_252 : vector<16xi32> to vector<16xi32>
    %mul3A_254 = arith.constant 1024 : i32
    %mul3A_255 = vector.broadcast %mul3A_254 : i32 to vector<16xi32>
    %mul3A_256 = arith.muli %get3A_253, %mul3A_255 : vector<16xi32>
    %get3A_257 = arith.constant 240 : index
    %get3A_258 = tpu.vector_load %arg7[%get3A_257] {strides = array<i32>} : memref<640xi32, #tpu.memory_space<vmem>>, vector<16xi32>,
    %get3A_259 = vector.shape_cast %get3A_258 : vector<16xi32> to vector<16xi32>
    %add3A_260 = arith.addi %mul3A_256, %get3A_259 : vector<16xi32>
    %swap3A_261 = arith.constant 1 : i32
    %swap3A_262 = arith.index_cast %swap3A_261 : i32 to index
    %swap3A_263 = arith.constant 112 : index
    %swap3A_264 = tpu.vector_load %arg8[%swap3A_262, %swap3A_263] {strides = array<i32>} : memref<5x128xi32, #tpu.memory_space<vmem>>, vector<1x16xi32>,
    %swap3A_265 = vector.shape_cast %swap3A_264 : vector<1x16xi32> to vector<16xi32>
    %swap3A_266 = vector.shape_cast %add3A_260 : vector<16xi32> to vector<1x16xi32>
    tpu.vector_store %arg8[%swap3A_262, %swap3A_263], %swap3A_266 {strides = array<i32>} : memref<5x128xi32, #tpu.memory_space<vmem>>, vector<1x16xi32>,
    %dma_start3A_267 = arith.constant 1 : i32
    %dma_start3A_268 = arith.constant 1 : i32
    %dma_start3A_269 = arith.constant 0 : i32
    %dma_start3A_270 = tpu.memref_slice %arg9[%dma_start3A_268, %dma_start3A_269] : memref<5x128xf32, #tpu.memory_space<vmem>> -> memref<1x128xf32, #tpu.memory_space<vmem>>
    %dma_start3A_271 = tpu.memref_squeeze %dma_start3A_270 : memref<1x128xf32, #tpu.memory_space<vmem>> -> memref<128xf32, #tpu.memory_space<vmem>>
    %dma_start3A_272 = arith.constant 0 : i32
    %dma_start3A_273 = tpu.memref_slice %arg8[%dma_start3A_267, %dma_start3A_272] : memref<5x128xi32, #tpu.memory_space<vmem>> -> memref<1x128xi32, #tpu.memory_space<vmem>>
    %dma_start3A_274 = tpu.memref_squeeze %dma_start3A_273 : memref<1x128xi32, #tpu.memory_space<vmem>> -> memref<128xi32, #tpu.memory_space<vmem>>
    %dma_start3A_275 = arith.constant 0 : i32
    %dma_start3A_276 = tpu.memref_slice %arg4[%dma_start3A_275] : memref<1048576xf32, #tpu.memory_space<hbm>> -> memref<1048576xf32, #tpu.memory_space<hbm>>
    tpu.enqueue_indirect_dma source(%dma_start3A_276 : memref<1048576xf32, #tpu.memory_space<hbm>>) target(%dma_start3A_271 : memref<128xf32, #tpu.memory_space<vmem>>) offsets(%dma_start3A_274 : memref<128xi32, #tpu.memory_space<vmem>>) semaphore(%arg11 : memref<!tpu.dma_semaphore, #tpu.memory_space<semaphore_mem>>)
    %get3A_277 = arith.constant 256 : index
    %get3A_278 = tpu.vector_load %arg6[%get3A_277] {strides = array<i32>} : memref<640xi32, #tpu.memory_space<vmem>>, vector<16xi32>,
    %get3A_279 = vector.shape_cast %get3A_278 : vector<16xi32> to vector<16xi32>
    %mul3A_280 = arith.constant 1024 : i32
    %mul3A_281 = vector.broadcast %mul3A_280 : i32 to vector<16xi32>
    %mul3A_282 = arith.muli %get3A_279, %mul3A_281 : vector<16xi32>
    %get3A_283 = arith.constant 256 : index
    %get3A_284 = tpu.vector_load %arg7[%get3A_283] {strides = array<i32>} : memref<640xi32, #tpu.memory_space<vmem>>, vector<16xi32>,
    %get3A_285 = vector.shape_cast %get3A_284 : vector<16xi32> to vector<16xi32>
    %add3A_286 = arith.addi %mul3A_282, %get3A_285 : vector<16xi32>
    %swap3A_287 = arith.constant 2 : i32
    %swap3A_288 = arith.index_cast %swap3A_287 : i32 to index
    %swap3A_289 = arith.constant 0 : index
    %swap3A_290 = tpu.vector_load %arg8[%swap3A_288, %swap3A_289] {strides = array<i32>} : memref<5x128xi32, #tpu.memory_space<vmem>>, vector<1x16xi32>,
    %swap3A_291 = vector.shape_cast %swap3A_290 : vector<1x16xi32> to vector<16xi32>
    %swap3A_292 = vector.shape_cast %add3A_286 : vector<16xi32> to vector<1x16xi32>
    tpu.vector_store %arg8[%swap3A_288, %swap3A_289], %swap3A_292 {strides = array<i32>} : memref<5x128xi32, #tpu.memory_space<vmem>>, vector<1x16xi32>,
    %get3A_293 = arith.constant 272 : index
    %get3A_294 = tpu.vector_load %arg6[%get3A_293] {strides = array<i32>} : memref<640xi32, #tpu.memory_space<vmem>>, vector<16xi32>,
    %get3A_295 = vector.shape_cast %get3A_294 : vector<16xi32> to vector<16xi32>
    %mul3A_296 = arith.constant 1024 : i32
    %mul3A_297 = vector.broadcast %mul3A_296 : i32 to vector<16xi32>
    %mul3A_298 = arith.muli %get3A_295, %mul3A_297 : vector<16xi32>
    %get3A_299 = arith.constant 272 : index
    %get3A_300 = tpu.vector_load %arg7[%get3A_299] {strides = array<i32>} : memref<640xi32, #tpu.memory_space<vmem>>, vector<16xi32>,
    %get3A_301 = vector.shape_cast %get3A_300 : vector<16xi32> to vector<16xi32>
    %add3A_302 = arith.addi %mul3A_298, %get3A_301 : vector<16xi32>
    %swap3A_303 = arith.constant 2 : i32
    %swap3A_304 = arith.index_cast %swap3A_303 : i32 to index
    %swap3A_305 = arith.constant 16 : index
    %swap3A_306 = tpu.vector_load %arg8[%swap3A_304, %swap3A_305] {strides = array<i32>} : memref<5x128xi32, #tpu.memory_space<vmem>>, vector<1x16xi32>,
    %swap3A_307 = vector.shape_cast %swap3A_306 : vector<1x16xi32> to vector<16xi32>
    %swap3A_308 = vector.shape_cast %add3A_302 : vector<16xi32> to vector<1x16xi32>
    tpu.vector_store %arg8[%swap3A_304, %swap3A_305], %swap3A_308 {strides = array<i32>} : memref<5x128xi32, #tpu.memory_space<vmem>>, vector<1x16xi32>,
    %get3A_309 = arith.constant 288 : index
    %get3A_310 = tpu.vector_load %arg6[%get3A_309] {strides = array<i32>} : memref<640xi32, #tpu.memory_space<vmem>>, vector<16xi32>,
    %get3A_311 = vector.shape_cast %get3A_310 : vector<16xi32> to vector<16xi32>
    %mul3A_312 = arith.constant 1024 : i32
    %mul3A_313 = vector.broadcast %mul3A_312 : i32 to vector<16xi32>
    %mul3A_314 = arith.muli %get3A_311, %mul3A_313 : vector<16xi32>
    %get3A_315 = arith.constant 288 : index
    %get3A_316 = tpu.vector_load %arg7[%get3A_315] {strides = array<i32>} : memref<640xi32, #tpu.memory_space<vmem>>, vector<16xi32>,
    %get3A_317 = vector.shape_cast %get3A_316 : vector<16xi32> to vector<16xi32>
    %add3A_318 = arith.addi %mul3A_314, %get3A_317 : vector<16xi32>
    %swap3A_319 = arith.constant 2 : i32
    %swap3A_320 = arith.index_cast %swap3A_319 : i32 to index
    %swap3A_321 = arith.constant 32 : index
    %swap3A_322 = tpu.vector_load %arg8[%swap3A_320, %swap3A_321] {strides = array<i32>} : memref<5x128xi32, #tpu.memory_space<vmem>>, vector<1x16xi32>,
    %swap3A_323 = vector.shape_cast %swap3A_322 : vector<1x16xi32> to vector<16xi32>
    %swap3A_324 = vector.shape_cast %add3A_318 : vector<16xi32> to vector<1x16xi32>
    tpu.vector_store %arg8[%swap3A_320, %swap3A_321], %swap3A_324 {strides = array<i32>} : memref<5x128xi32, #tpu.memory_space<vmem>>, vector<1x16xi32>,
    %get3A_325 = arith.constant 304 : index
    %get3A_326 = tpu.vector_load %arg6[%get3A_325] {strides = array<i32>} : memref<640xi32, #tpu.memory_space<vmem>>, vector<16xi32>,
    %get3A_327 = vector.shape_cast %get3A_326 : vector<16xi32> to vector<16xi32>
    %mul3A_328 = arith.constant 1024 : i32
    %mul3A_329 = vector.broadcast %mul3A_328 : i32 to vector<16xi32>
    %mul3A_330 = arith.muli %get3A_327, %mul3A_329 : vector<16xi32>
    %get3A_331 = arith.constant 304 : index
    %get3A_332 = tpu.vector_load %arg7[%get3A_331] {strides = array<i32>} : memref<640xi32, #tpu.memory_space<vmem>>, vector<16xi32>,
    %get3A_333 = vector.shape_cast %get3A_332 : vector<16xi32> to vector<16xi32>
    %add3A_334 = arith.addi %mul3A_330, %get3A_333 : vector<16xi32>
    %swap3A_335 = arith.constant 2 : i32
    %swap3A_336 = arith.index_cast %swap3A_335 : i32 to index
    %swap3A_337 = arith.constant 48 : index
    %swap3A_338 = tpu.vector_load %arg8[%swap3A_336, %swap3A_337] {strides = array<i32>} : memref<5x128xi32, #tpu.memory_space<vmem>>, vector<1x16xi32>,
    %swap3A_339 = vector.shape_cast %swap3A_338 : vector<1x16xi32> to vector<16xi32>
    %swap3A_340 = vector.shape_cast %add3A_334 : vector<16xi32> to vector<1x16xi32>
    tpu.vector_store %arg8[%swap3A_336, %swap3A_337], %swap3A_340 {strides = array<i32>} : memref<5x128xi32, #tpu.memory_space<vmem>>, vector<1x16xi32>,
    %get3A_341 = arith.constant 320 : index
    %get3A_342 = tpu.vector_load %arg6[%get3A_341] {strides = array<i32>} : memref<640xi32, #tpu.memory_space<vmem>>, vector<16xi32>,
    %get3A_343 = vector.shape_cast %get3A_342 : vector<16xi32> to vector<16xi32>
    %mul3A_344 = arith.constant 1024 : i32
    %mul3A_345 = vector.broadcast %mul3A_344 : i32 to vector<16xi32>
    %mul3A_346 = arith.muli %get3A_343, %mul3A_345 : vector<16xi32>
    %get3A_347 = arith.constant 320 : index
    %get3A_348 = tpu.vector_load %arg7[%get3A_347] {strides = array<i32>} : memref<640xi32, #tpu.memory_space<vmem>>, vector<16xi32>,
    %get3A_349 = vector.shape_cast %get3A_348 : vector<16xi32> to vector<16xi32>
    %add3A_350 = arith.addi %mul3A_346, %get3A_349 : vector<16xi32>
    %swap3A_351 = arith.constant 2 : i32
    %swap3A_352 = arith.index_cast %swap3A_351 : i32 to index
    %swap3A_353 = arith.constant 64 : index
    %swap3A_354 = tpu.vector_load %arg8[%swap3A_352, %swap3A_353] {strides = array<i32>} : memref<5x128xi32, #tpu.memory_space<vmem>>, vector<1x16xi32>,
    %swap3A_355 = vector.shape_cast %swap3A_354 : vector<1x16xi32> to vector<16xi32>
    %swap3A_356 = vector.shape_cast %add3A_350 : vector<16xi32> to vector<1x16xi32>
    tpu.vector_store %arg8[%swap3A_352, %swap3A_353], %swap3A_356 {strides = array<i32>} : memref<5x128xi32, #tpu.memory_space<vmem>>, vector<1x16xi32>,
    %get3A_357 = arith.constant 336 : index
    %get3A_358 = tpu.vector_load %arg6[%get3A_357] {strides = array<i32>} : memref<640xi32, #tpu.memory_space<vmem>>, vector<16xi32>,
    %get3A_359 = vector.shape_cast %get3A_358 : vector<16xi32> to vector<16xi32>
    %mul3A_360 = arith.constant 1024 : i32
    %mul3A_361 = vector.broadcast %mul3A_360 : i32 to vector<16xi32>
    %mul3A_362 = arith.muli %get3A_359, %mul3A_361 : vector<16xi32>
    %get3A_363 = arith.constant 336 : index
    %get3A_364 = tpu.vector_load %arg7[%get3A_363] {strides = array<i32>} : memref<640xi32, #tpu.memory_space<vmem>>, vector<16xi32>,
    %get3A_365 = vector.shape_cast %get3A_364 : vector<16xi32> to vector<16xi32>
    %add3A_366 = arith.addi %mul3A_362, %get3A_365 : vector<16xi32>
    %swap3A_367 = arith.constant 2 : i32
    %swap3A_368 = arith.index_cast %swap3A_367 : i32 to index
    %swap3A_369 = arith.constant 80 : index
    %swap3A_370 = tpu.vector_load %arg8[%swap3A_368, %swap3A_369] {strides = array<i32>} : memref<5x128xi32, #tpu.memory_space<vmem>>, vector<1x16xi32>,
    %swap3A_371 = vector.shape_cast %swap3A_370 : vector<1x16xi32> to vector<16xi32>
    %swap3A_372 = vector.shape_cast %add3A_366 : vector<16xi32> to vector<1x16xi32>
    tpu.vector_store %arg8[%swap3A_368, %swap3A_369], %swap3A_372 {strides = array<i32>} : memref<5x128xi32, #tpu.memory_space<vmem>>, vector<1x16xi32>,
    %get3A_373 = arith.constant 352 : index
    %get3A_374 = tpu.vector_load %arg6[%get3A_373] {strides = array<i32>} : memref<640xi32, #tpu.memory_space<vmem>>, vector<16xi32>,
    %get3A_375 = vector.shape_cast %get3A_374 : vector<16xi32> to vector<16xi32>
    %mul3A_376 = arith.constant 1024 : i32
    %mul3A_377 = vector.broadcast %mul3A_376 : i32 to vector<16xi32>
    %mul3A_378 = arith.muli %get3A_375, %mul3A_377 : vector<16xi32>
    %get3A_379 = arith.constant 352 : index
    %get3A_380 = tpu.vector_load %arg7[%get3A_379] {strides = array<i32>} : memref<640xi32, #tpu.memory_space<vmem>>, vector<16xi32>,
    %get3A_381 = vector.shape_cast %get3A_380 : vector<16xi32> to vector<16xi32>
    %add3A_382 = arith.addi %mul3A_378, %get3A_381 : vector<16xi32>
    %swap3A_383 = arith.constant 2 : i32
    %swap3A_384 = arith.index_cast %swap3A_383 : i32 to index
    %swap3A_385 = arith.constant 96 : index
    %swap3A_386 = tpu.vector_load %arg8[%swap3A_384, %swap3A_385] {strides = array<i32>} : memref<5x128xi32, #tpu.memory_space<vmem>>, vector<1x16xi32>,
    %swap3A_387 = vector.shape_cast %swap3A_386 : vector<1x16xi32> to vector<16xi32>
    %swap3A_388 = vector.shape_cast %add3A_382 : vector<16xi32> to vector<1x16xi32>
    tpu.vector_store %arg8[%swap3A_384, %swap3A_385], %swap3A_388 {strides = array<i32>} : memref<5x128xi32, #tpu.memory_space<vmem>>, vector<1x16xi32>,
    %get3A_389 = arith.constant 368 : index
    %get3A_390 = tpu.vector_load %arg6[%get3A_389] {strides = array<i32>} : memref<640xi32, #tpu.memory_space<vmem>>, vector<16xi32>,
    %get3A_391 = vector.shape_cast %get3A_390 : vector<16xi32> to vector<16xi32>
    %mul3A_392 = arith.constant 1024 : i32
    %mul3A_393 = vector.broadcast %mul3A_392 : i32 to vector<16xi32>
    %mul3A_394 = arith.muli %get3A_391, %mul3A_393 : vector<16xi32>
    %get3A_395 = arith.constant 368 : index
    %get3A_396 = tpu.vector_load %arg7[%get3A_395] {strides = array<i32>} : memref<640xi32, #tpu.memory_space<vmem>>, vector<16xi32>,
    %get3A_397 = vector.shape_cast %get3A_396 : vector<16xi32> to vector<16xi32>
    %add3A_398 = arith.addi %mul3A_394, %get3A_397 : vector<16xi32>
    %swap3A_399 = arith.constant 2 : i32
    %swap3A_400 = arith.index_cast %swap3A_399 : i32 to index
    %swap3A_401 = arith.constant 112 : index
    %swap3A_402 = tpu.vector_load %arg8[%swap3A_400, %swap3A_401] {strides = array<i32>} : memref<5x128xi32, #tpu.memory_space<vmem>>, vector<1x16xi32>,
    %swap3A_403 = vector.shape_cast %swap3A_402 : vector<1x16xi32> to vector<16xi32>
    %swap3A_404 = vector.shape_cast %add3A_398 : vector<16xi32> to vector<1x16xi32>
    tpu.vector_store %arg8[%swap3A_400, %swap3A_401], %swap3A_404 {strides = array<i32>} : memref<5x128xi32, #tpu.memory_space<vmem>>, vector<1x16xi32>,
    %dma_start3A_405 = arith.constant 2 : i32
    %dma_start3A_406 = arith.constant 2 : i32
    %dma_start3A_407 = arith.constant 0 : i32
    %dma_start3A_408 = tpu.memref_slice %arg9[%dma_start3A_406, %dma_start3A_407] : memref<5x128xf32, #tpu.memory_space<vmem>> -> memref<1x128xf32, #tpu.memory_space<vmem>>
    %dma_start3A_409 = tpu.memref_squeeze %dma_start3A_408 : memref<1x128xf32, #tpu.memory_space<vmem>> -> memref<128xf32, #tpu.memory_space<vmem>>
    %dma_start3A_410 = arith.constant 0 : i32
    %dma_start3A_411 = tpu.memref_slice %arg8[%dma_start3A_405, %dma_start3A_410] : memref<5x128xi32, #tpu.memory_space<vmem>> -> memref<1x128xi32, #tpu.memory_space<vmem>>
    %dma_start3A_412 = tpu.memref_squeeze %dma_start3A_411 : memref<1x128xi32, #tpu.memory_space<vmem>> -> memref<128xi32, #tpu.memory_space<vmem>>
    %dma_start3A_413 = arith.constant 0 : i32
    %dma_start3A_414 = tpu.memref_slice %arg4[%dma_start3A_413] : memref<1048576xf32, #tpu.memory_space<hbm>> -> memref<1048576xf32, #tpu.memory_space<hbm>>
    tpu.enqueue_indirect_dma source(%dma_start3A_414 : memref<1048576xf32, #tpu.memory_space<hbm>>) target(%dma_start3A_409 : memref<128xf32, #tpu.memory_space<vmem>>) offsets(%dma_start3A_412 : memref<128xi32, #tpu.memory_space<vmem>>) semaphore(%arg11 : memref<!tpu.dma_semaphore, #tpu.memory_space<semaphore_mem>>)
    %get3A_415 = arith.constant 384 : index
    %get3A_416 = tpu.vector_load %arg6[%get3A_415] {strides = array<i32>} : memref<640xi32, #tpu.memory_space<vmem>>, vector<16xi32>,
    %get3A_417 = vector.shape_cast %get3A_416 : vector<16xi32> to vector<16xi32>
    %mul3A_418 = arith.constant 1024 : i32
    %mul3A_419 = vector.broadcast %mul3A_418 : i32 to vector<16xi32>
    %mul3A_420 = arith.muli %get3A_417, %mul3A_419 : vector<16xi32>
    %get3A_421 = arith.constant 384 : index
    %get3A_422 = tpu.vector_load %arg7[%get3A_421] {strides = array<i32>} : memref<640xi32, #tpu.memory_space<vmem>>, vector<16xi32>,
    %get3A_423 = vector.shape_cast %get3A_422 : vector<16xi32> to vector<16xi32>
    %add3A_424 = arith.addi %mul3A_420, %get3A_423 : vector<16xi32>
    %swap3A_425 = arith.constant 3 : i32
    %swap3A_426 = arith.index_cast %swap3A_425 : i32 to index
    %swap3A_427 = arith.constant 0 : index
    %swap3A_428 = tpu.vector_load %arg8[%swap3A_426, %swap3A_427] {strides = array<i32>} : memref<5x128xi32, #tpu.memory_space<vmem>>, vector<1x16xi32>,
    %swap3A_429 = vector.shape_cast %swap3A_428 : vector<1x16xi32> to vector<16xi32>
    %swap3A_430 = vector.shape_cast %add3A_424 : vector<16xi32> to vector<1x16xi32>
    tpu.vector_store %arg8[%swap3A_426, %swap3A_427], %swap3A_430 {strides = array<i32>} : memref<5x128xi32, #tpu.memory_space<vmem>>, vector<1x16xi32>,
    %get3A_431 = arith.constant 400 : index
    %get3A_432 = tpu.vector_load %arg6[%get3A_431] {strides = array<i32>} : memref<640xi32, #tpu.memory_space<vmem>>, vector<16xi32>,
    %get3A_433 = vector.shape_cast %get3A_432 : vector<16xi32> to vector<16xi32>
    %mul3A_434 = arith.constant 1024 : i32
    %mul3A_435 = vector.broadcast %mul3A_434 : i32 to vector<16xi32>
    %mul3A_436 = arith.muli %get3A_433, %mul3A_435 : vector<16xi32>
    %get3A_437 = arith.constant 400 : index
    %get3A_438 = tpu.vector_load %arg7[%get3A_437] {strides = array<i32>} : memref<640xi32, #tpu.memory_space<vmem>>, vector<16xi32>,
    %get3A_439 = vector.shape_cast %get3A_438 : vector<16xi32> to vector<16xi32>
    %add3A_440 = arith.addi %mul3A_436, %get3A_439 : vector<16xi32>
    %swap3A_441 = arith.constant 3 : i32
    %swap3A_442 = arith.index_cast %swap3A_441 : i32 to index
    %swap3A_443 = arith.constant 16 : index
    %swap3A_444 = tpu.vector_load %arg8[%swap3A_442, %swap3A_443] {strides = array<i32>} : memref<5x128xi32, #tpu.memory_space<vmem>>, vector<1x16xi32>,
    %swap3A_445 = vector.shape_cast %swap3A_444 : vector<1x16xi32> to vector<16xi32>
    %swap3A_446 = vector.shape_cast %add3A_440 : vector<16xi32> to vector<1x16xi32>
    tpu.vector_store %arg8[%swap3A_442, %swap3A_443], %swap3A_446 {strides = array<i32>} : memref<5x128xi32, #tpu.memory_space<vmem>>, vector<1x16xi32>,
    %get3A_447 = arith.constant 416 : index
    %get3A_448 = tpu.vector_load %arg6[%get3A_447] {strides = array<i32>} : memref<640xi32, #tpu.memory_space<vmem>>, vector<16xi32>,
    %get3A_449 = vector.shape_cast %get3A_448 : vector<16xi32> to vector<16xi32>
    %mul3A_450 = arith.constant 1024 : i32
    %mul3A_451 = vector.broadcast %mul3A_450 : i32 to vector<16xi32>
    %mul3A_452 = arith.muli %get3A_449, %mul3A_451 : vector<16xi32>
    %get3A_453 = arith.constant 416 : index
    %get3A_454 = tpu.vector_load %arg7[%get3A_453] {strides = array<i32>} : memref<640xi32, #tpu.memory_space<vmem>>, vector<16xi32>,
    %get3A_455 = vector.shape_cast %get3A_454 : vector<16xi32> to vector<16xi32>
    %add3A_456 = arith.addi %mul3A_452, %get3A_455 : vector<16xi32>
    %swap3A_457 = arith.constant 3 : i32
    %swap3A_458 = arith.index_cast %swap3A_457 : i32 to index
    %swap3A_459 = arith.constant 32 : index
    %swap3A_460 = tpu.vector_load %arg8[%swap3A_458, %swap3A_459] {strides = array<i32>} : memref<5x128xi32, #tpu.memory_space<vmem>>, vector<1x16xi32>,
    %swap3A_461 = vector.shape_cast %swap3A_460 : vector<1x16xi32> to vector<16xi32>
    %swap3A_462 = vector.shape_cast %add3A_456 : vector<16xi32> to vector<1x16xi32>
    tpu.vector_store %arg8[%swap3A_458, %swap3A_459], %swap3A_462 {strides = array<i32>} : memref<5x128xi32, #tpu.memory_space<vmem>>, vector<1x16xi32>,
    %get3A_463 = arith.constant 432 : index
    %get3A_464 = tpu.vector_load %arg6[%get3A_463] {strides = array<i32>} : memref<640xi32, #tpu.memory_space<vmem>>, vector<16xi32>,
    %get3A_465 = vector.shape_cast %get3A_464 : vector<16xi32> to vector<16xi32>
    %mul3A_466 = arith.constant 1024 : i32
    %mul3A_467 = vector.broadcast %mul3A_466 : i32 to vector<16xi32>
    %mul3A_468 = arith.muli %get3A_465, %mul3A_467 : vector<16xi32>
    %get3A_469 = arith.constant 432 : index
    %get3A_470 = tpu.vector_load %arg7[%get3A_469] {strides = array<i32>} : memref<640xi32, #tpu.memory_space<vmem>>, vector<16xi32>,
    %get3A_471 = vector.shape_cast %get3A_470 : vector<16xi32> to vector<16xi32>
    %add3A_472 = arith.addi %mul3A_468, %get3A_471 : vector<16xi32>
    %swap3A_473 = arith.constant 3 : i32
    %swap3A_474 = arith.index_cast %swap3A_473 : i32 to index
    %swap3A_475 = arith.constant 48 : index
    %swap3A_476 = tpu.vector_load %arg8[%swap3A_474, %swap3A_475] {strides = array<i32>} : memref<5x128xi32, #tpu.memory_space<vmem>>, vector<1x16xi32>,
    %swap3A_477 = vector.shape_cast %swap3A_476 : vector<1x16xi32> to vector<16xi32>
    %swap3A_478 = vector.shape_cast %add3A_472 : vector<16xi32> to vector<1x16xi32>
    tpu.vector_store %arg8[%swap3A_474, %swap3A_475], %swap3A_478 {strides = array<i32>} : memref<5x128xi32, #tpu.memory_space<vmem>>, vector<1x16xi32>,
    %get3A_479 = arith.constant 448 : index
    %get3A_480 = tpu.vector_load %arg6[%get3A_479] {strides = array<i32>} : memref<640xi32, #tpu.memory_space<vmem>>, vector<16xi32>,
    %get3A_481 = vector.shape_cast %get3A_480 : vector<16xi32> to vector<16xi32>
    %mul3A_482 = arith.constant 1024 : i32
    %mul3A_483 = vector.broadcast %mul3A_482 : i32 to vector<16xi32>
    %mul3A_484 = arith.muli %get3A_481, %mul3A_483 : vector<16xi32>
    %get3A_485 = arith.constant 448 : index
    %get3A_486 = tpu.vector_load %arg7[%get3A_485] {strides = array<i32>} : memref<640xi32, #tpu.memory_space<vmem>>, vector<16xi32>,
    %get3A_487 = vector.shape_cast %get3A_486 : vector<16xi32> to vector<16xi32>
    %add3A_488 = arith.addi %mul3A_484, %get3A_487 : vector<16xi32>
    %swap3A_489 = arith.constant 3 : i32
    %swap3A_490 = arith.index_cast %swap3A_489 : i32 to index
    %swap3A_491 = arith.constant 64 : index
    %swap3A_492 = tpu.vector_load %arg8[%swap3A_490, %swap3A_491] {strides = array<i32>} : memref<5x128xi32, #tpu.memory_space<vmem>>, vector<1x16xi32>,
    %swap3A_493 = vector.shape_cast %swap3A_492 : vector<1x16xi32> to vector<16xi32>
    %swap3A_494 = vector.shape_cast %add3A_488 : vector<16xi32> to vector<1x16xi32>
    tpu.vector_store %arg8[%swap3A_490, %swap3A_491], %swap3A_494 {strides = array<i32>} : memref<5x128xi32, #tpu.memory_space<vmem>>, vector<1x16xi32>,
    %get3A_495 = arith.constant 464 : index
    %get3A_496 = tpu.vector_load %arg6[%get3A_495] {strides = array<i32>} : memref<640xi32, #tpu.memory_space<vmem>>, vector<16xi32>,
    %get3A_497 = vector.shape_cast %get3A_496 : vector<16xi32> to vector<16xi32>
    %mul3A_498 = arith.constant 1024 : i32
    %mul3A_499 = vector.broadcast %mul3A_498 : i32 to vector<16xi32>
    %mul3A_500 = arith.muli %get3A_497, %mul3A_499 : vector<16xi32>
    %get3A_501 = arith.constant 464 : index
    %get3A_502 = tpu.vector_load %arg7[%get3A_501] {strides = array<i32>} : memref<640xi32, #tpu.memory_space<vmem>>, vector<16xi32>,
    %get3A_503 = vector.shape_cast %get3A_502 : vector<16xi32> to vector<16xi32>
    %add3A_504 = arith.addi %mul3A_500, %get3A_503 : vector<16xi32>
    %swap3A_505 = arith.constant 3 : i32
    %swap3A_506 = arith.index_cast %swap3A_505 : i32 to index
    %swap3A_507 = arith.constant 80 : index
    %swap3A_508 = tpu.vector_load %arg8[%swap3A_506, %swap3A_507] {strides = array<i32>} : memref<5x128xi32, #tpu.memory_space<vmem>>, vector<1x16xi32>,
    %swap3A_509 = vector.shape_cast %swap3A_508 : vector<1x16xi32> to vector<16xi32>
    %swap3A_510 = vector.shape_cast %add3A_504 : vector<16xi32> to vector<1x16xi32>
    tpu.vector_store %arg8[%swap3A_506, %swap3A_507], %swap3A_510 {strides = array<i32>} : memref<5x128xi32, #tpu.memory_space<vmem>>, vector<1x16xi32>,
    %get3A_511 = arith.constant 480 : index
    %get3A_512 = tpu.vector_load %arg6[%get3A_511] {strides = array<i32>} : memref<640xi32, #tpu.memory_space<vmem>>, vector<16xi32>,
    %get3A_513 = vector.shape_cast %get3A_512 : vector<16xi32> to vector<16xi32>
    %mul3A_514 = arith.constant 1024 : i32
    %mul3A_515 = vector.broadcast %mul3A_514 : i32 to vector<16xi32>
    %mul3A_516 = arith.muli %get3A_513, %mul3A_515 : vector<16xi32>
    %get3A_517 = arith.constant 480 : index
    %get3A_518 = tpu.vector_load %arg7[%get3A_517] {strides = array<i32>} : memref<640xi32, #tpu.memory_space<vmem>>, vector<16xi32>,
    %get3A_519 = vector.shape_cast %get3A_518 : vector<16xi32> to vector<16xi32>
    %add3A_520 = arith.addi %mul3A_516, %get3A_519 : vector<16xi32>
    %swap3A_521 = arith.constant 3 : i32
    %swap3A_522 = arith.index_cast %swap3A_521 : i32 to index
    %swap3A_523 = arith.constant 96 : index
    %swap3A_524 = tpu.vector_load %arg8[%swap3A_522, %swap3A_523] {strides = array<i32>} : memref<5x128xi32, #tpu.memory_space<vmem>>, vector<1x16xi32>,
    %swap3A_525 = vector.shape_cast %swap3A_524 : vector<1x16xi32> to vector<16xi32>
    %swap3A_526 = vector.shape_cast %add3A_520 : vector<16xi32> to vector<1x16xi32>
    tpu.vector_store %arg8[%swap3A_522, %swap3A_523], %swap3A_526 {strides = array<i32>} : memref<5x128xi32, #tpu.memory_space<vmem>>, vector<1x16xi32>,
    %get3A_527 = arith.constant 496 : index
    %get3A_528 = tpu.vector_load %arg6[%get3A_527] {strides = array<i32>} : memref<640xi32, #tpu.memory_space<vmem>>, vector<16xi32>,
    %get3A_529 = vector.shape_cast %get3A_528 : vector<16xi32> to vector<16xi32>
    %mul3A_530 = arith.constant 1024 : i32
    %mul3A_531 = vector.broadcast %mul3A_530 : i32 to vector<16xi32>
    %mul3A_532 = arith.muli %get3A_529, %mul3A_531 : vector<16xi32>
    %get3A_533 = arith.constant 496 : index
    %get3A_534 = tpu.vector_load %arg7[%get3A_533] {strides = array<i32>} : memref<640xi32, #tpu.memory_space<vmem>>, vector<16xi32>,
    %get3A_535 = vector.shape_cast %get3A_534 : vector<16xi32> to vector<16xi32>
    %add3A_536 = arith.addi %mul3A_532, %get3A_535 : vector<16xi32>
    %swap3A_537 = arith.constant 3 : i32
    %swap3A_538 = arith.index_cast %swap3A_537 : i32 to index
    %swap3A_539 = arith.constant 112 : index
    %swap3A_540 = tpu.vector_load %arg8[%swap3A_538, %swap3A_539] {strides = array<i32>} : memref<5x128xi32, #tpu.memory_space<vmem>>, vector<1x16xi32>,
    %swap3A_541 = vector.shape_cast %swap3A_540 : vector<1x16xi32> to vector<16xi32>
    %swap3A_542 = vector.shape_cast %add3A_536 : vector<16xi32> to vector<1x16xi32>
    tpu.vector_store %arg8[%swap3A_538, %swap3A_539], %swap3A_542 {strides = array<i32>} : memref<5x128xi32, #tpu.memory_space<vmem>>, vector<1x16xi32>,
    %dma_start3A_543 = arith.constant 3 : i32
    %dma_start3A_544 = arith.constant 3 : i32
    %dma_start3A_545 = arith.constant 0 : i32
    %dma_start3A_546 = tpu.memref_slice %arg9[%dma_start3A_544, %dma_start3A_545] : memref<5x128xf32, #tpu.memory_space<vmem>> -> memref<1x128xf32, #tpu.memory_space<vmem>>
    %dma_start3A_547 = tpu.memref_squeeze %dma_start3A_546 : memref<1x128xf32, #tpu.memory_space<vmem>> -> memref<128xf32, #tpu.memory_space<vmem>>
    %dma_start3A_548 = arith.constant 0 : i32
    %dma_start3A_549 = tpu.memref_slice %arg8[%dma_start3A_543, %dma_start3A_548] : memref<5x128xi32, #tpu.memory_space<vmem>> -> memref<1x128xi32, #tpu.memory_space<vmem>>
    %dma_start3A_550 = tpu.memref_squeeze %dma_start3A_549 : memref<1x128xi32, #tpu.memory_space<vmem>> -> memref<128xi32, #tpu.memory_space<vmem>>
    %dma_start3A_551 = arith.constant 0 : i32
    %dma_start3A_552 = tpu.memref_slice %arg4[%dma_start3A_551] : memref<1048576xf32, #tpu.memory_space<hbm>> -> memref<1048576xf32, #tpu.memory_space<hbm>>
    tpu.enqueue_indirect_dma source(%dma_start3A_552 : memref<1048576xf32, #tpu.memory_space<hbm>>) target(%dma_start3A_547 : memref<128xf32, #tpu.memory_space<vmem>>) offsets(%dma_start3A_550 : memref<128xi32, #tpu.memory_space<vmem>>) semaphore(%arg11 : memref<!tpu.dma_semaphore, #tpu.memory_space<semaphore_mem>>)
    %get3A_553 = arith.constant 512 : index
    %get3A_554 = tpu.vector_load %arg6[%get3A_553] {strides = array<i32>} : memref<640xi32, #tpu.memory_space<vmem>>, vector<16xi32>,
    %get3A_555 = vector.shape_cast %get3A_554 : vector<16xi32> to vector<16xi32>
    %mul3A_556 = arith.constant 1024 : i32
    %mul3A_557 = vector.broadcast %mul3A_556 : i32 to vector<16xi32>
    %mul3A_558 = arith.muli %get3A_555, %mul3A_557 : vector<16xi32>
    %get3A_559 = arith.constant 512 : index
    %get3A_560 = tpu.vector_load %arg7[%get3A_559] {strides = array<i32>} : memref<640xi32, #tpu.memory_space<vmem>>, vector<16xi32>,
    %get3A_561 = vector.shape_cast %get3A_560 : vector<16xi32> to vector<16xi32>
    %add3A_562 = arith.addi %mul3A_558, %get3A_561 : vector<16xi32>
    %swap3A_563 = arith.constant 4 : i32
    %swap3A_564 = arith.index_cast %swap3A_563 : i32 to index
    %swap3A_565 = arith.constant 0 : index
    %swap3A_566 = tpu.vector_load %arg8[%swap3A_564, %swap3A_565] {strides = array<i32>} : memref<5x128xi32, #tpu.memory_space<vmem>>, vector<1x16xi32>,
    %swap3A_567 = vector.shape_cast %swap3A_566 : vector<1x16xi32> to vector<16xi32>
    %swap3A_568 = vector.shape_cast %add3A_562 : vector<16xi32> to vector<1x16xi32>
    tpu.vector_store %arg8[%swap3A_564, %swap3A_565], %swap3A_568 {strides = array<i32>} : memref<5x128xi32, #tpu.memory_space<vmem>>, vector<1x16xi32>,
    %get3A_569 = arith.constant 528 : index
    %get3A_570 = tpu.vector_load %arg6[%get3A_569] {strides = array<i32>} : memref<640xi32, #tpu.memory_space<vmem>>, vector<16xi32>,
    %get3A_571 = vector.shape_cast %get3A_570 : vector<16xi32> to vector<16xi32>
    %mul3A_572 = arith.constant 1024 : i32
    %mul3A_573 = vector.broadcast %mul3A_572 : i32 to vector<16xi32>
    %mul3A_574 = arith.muli %get3A_571, %mul3A_573 : vector<16xi32>
    %get3A_575 = arith.constant 528 : index
    %get3A_576 = tpu.vector_load %arg7[%get3A_575] {strides = array<i32>} : memref<640xi32, #tpu.memory_space<vmem>>, vector<16xi32>,
    %get3A_577 = vector.shape_cast %get3A_576 : vector<16xi32> to vector<16xi32>
    %add3A_578 = arith.addi %mul3A_574, %get3A_577 : vector<16xi32>
    %swap3A_579 = arith.constant 4 : i32
    %swap3A_580 = arith.index_cast %swap3A_579 : i32 to index
    %swap3A_581 = arith.constant 16 : index
    %swap3A_582 = tpu.vector_load %arg8[%swap3A_580, %swap3A_581] {strides = array<i32>} : memref<5x128xi32, #tpu.memory_space<vmem>>, vector<1x16xi32>,
    %swap3A_583 = vector.shape_cast %swap3A_582 : vector<1x16xi32> to vector<16xi32>
    %swap3A_584 = vector.shape_cast %add3A_578 : vector<16xi32> to vector<1x16xi32>
    tpu.vector_store %arg8[%swap3A_580, %swap3A_581], %swap3A_584 {strides = array<i32>} : memref<5x128xi32, #tpu.memory_space<vmem>>, vector<1x16xi32>,
    %get3A_585 = arith.constant 544 : index
    %get3A_586 = tpu.vector_load %arg6[%get3A_585] {strides = array<i32>} : memref<640xi32, #tpu.memory_space<vmem>>, vector<16xi32>,
    %get3A_587 = vector.shape_cast %get3A_586 : vector<16xi32> to vector<16xi32>
    %mul3A_588 = arith.constant 1024 : i32
    %mul3A_589 = vector.broadcast %mul3A_588 : i32 to vector<16xi32>
    %mul3A_590 = arith.muli %get3A_587, %mul3A_589 : vector<16xi32>
    %get3A_591 = arith.constant 544 : index
    %get3A_592 = tpu.vector_load %arg7[%get3A_591] {strides = array<i32>} : memref<640xi32, #tpu.memory_space<vmem>>, vector<16xi32>,
    %get3A_593 = vector.shape_cast %get3A_592 : vector<16xi32> to vector<16xi32>
    %add3A_594 = arith.addi %mul3A_590, %get3A_593 : vector<16xi32>
    %swap3A_595 = arith.constant 4 : i32
    %swap3A_596 = arith.index_cast %swap3A_595 : i32 to index
    %swap3A_597 = arith.constant 32 : index
    %swap3A_598 = tpu.vector_load %arg8[%swap3A_596, %swap3A_597] {strides = array<i32>} : memref<5x128xi32, #tpu.memory_space<vmem>>, vector<1x16xi32>,
    %swap3A_599 = vector.shape_cast %swap3A_598 : vector<1x16xi32> to vector<16xi32>
    %swap3A_600 = vector.shape_cast %add3A_594 : vector<16xi32> to vector<1x16xi32>
    tpu.vector_store %arg8[%swap3A_596, %swap3A_597], %swap3A_600 {strides = array<i32>} : memref<5x128xi32, #tpu.memory_space<vmem>>, vector<1x16xi32>,
    %get3A_601 = arith.constant 560 : index
    %get3A_602 = tpu.vector_load %arg6[%get3A_601] {strides = array<i32>} : memref<640xi32, #tpu.memory_space<vmem>>, vector<16xi32>,
    %get3A_603 = vector.shape_cast %get3A_602 : vector<16xi32> to vector<16xi32>
    %mul3A_604 = arith.constant 1024 : i32
    %mul3A_605 = vector.broadcast %mul3A_604 : i32 to vector<16xi32>
    %mul3A_606 = arith.muli %get3A_603, %mul3A_605 : vector<16xi32>
    %get3A_607 = arith.constant 560 : index
    %get3A_608 = tpu.vector_load %arg7[%get3A_607] {strides = array<i32>} : memref<640xi32, #tpu.memory_space<vmem>>, vector<16xi32>,
    %get3A_609 = vector.shape_cast %get3A_608 : vector<16xi32> to vector<16xi32>
    %add3A_610 = arith.addi %mul3A_606, %get3A_609 : vector<16xi32>
    %swap3A_611 = arith.constant 4 : i32
    %swap3A_612 = arith.index_cast %swap3A_611 : i32 to index
    %swap3A_613 = arith.constant 48 : index
    %swap3A_614 = tpu.vector_load %arg8[%swap3A_612, %swap3A_613] {strides = array<i32>} : memref<5x128xi32, #tpu.memory_space<vmem>>, vector<1x16xi32>,
    %swap3A_615 = vector.shape_cast %swap3A_614 : vector<1x16xi32> to vector<16xi32>
    %swap3A_616 = vector.shape_cast %add3A_610 : vector<16xi32> to vector<1x16xi32>
    tpu.vector_store %arg8[%swap3A_612, %swap3A_613], %swap3A_616 {strides = array<i32>} : memref<5x128xi32, #tpu.memory_space<vmem>>, vector<1x16xi32>,
    %get3A_617 = arith.constant 576 : index
    %get3A_618 = tpu.vector_load %arg6[%get3A_617] {strides = array<i32>} : memref<640xi32, #tpu.memory_space<vmem>>, vector<16xi32>,
    %get3A_619 = vector.shape_cast %get3A_618 : vector<16xi32> to vector<16xi32>
    %mul3A_620 = arith.constant 1024 : i32
    %mul3A_621 = vector.broadcast %mul3A_620 : i32 to vector<16xi32>
    %mul3A_622 = arith.muli %get3A_619, %mul3A_621 : vector<16xi32>
    %get3A_623 = arith.constant 576 : index
    %get3A_624 = tpu.vector_load %arg7[%get3A_623] {strides = array<i32>} : memref<640xi32, #tpu.memory_space<vmem>>, vector<16xi32>,
    %get3A_625 = vector.shape_cast %get3A_624 : vector<16xi32> to vector<16xi32>
    %add3A_626 = arith.addi %mul3A_622, %get3A_625 : vector<16xi32>
    %swap3A_627 = arith.constant 4 : i32
    %swap3A_628 = arith.index_cast %swap3A_627 : i32 to index
    %swap3A_629 = arith.constant 64 : index
    %swap3A_630 = tpu.vector_load %arg8[%swap3A_628, %swap3A_629] {strides = array<i32>} : memref<5x128xi32, #tpu.memory_space<vmem>>, vector<1x16xi32>,
    %swap3A_631 = vector.shape_cast %swap3A_630 : vector<1x16xi32> to vector<16xi32>
    %swap3A_632 = vector.shape_cast %add3A_626 : vector<16xi32> to vector<1x16xi32>
    tpu.vector_store %arg8[%swap3A_628, %swap3A_629], %swap3A_632 {strides = array<i32>} : memref<5x128xi32, #tpu.memory_space<vmem>>, vector<1x16xi32>,
    %get3A_633 = arith.constant 592 : index
    %get3A_634 = tpu.vector_load %arg6[%get3A_633] {strides = array<i32>} : memref<640xi32, #tpu.memory_space<vmem>>, vector<16xi32>,
    %get3A_635 = vector.shape_cast %get3A_634 : vector<16xi32> to vector<16xi32>
    %mul3A_636 = arith.constant 1024 : i32
    %mul3A_637 = vector.broadcast %mul3A_636 : i32 to vector<16xi32>
    %mul3A_638 = arith.muli %get3A_635, %mul3A_637 : vector<16xi32>
    %get3A_639 = arith.constant 592 : index
    %get3A_640 = tpu.vector_load %arg7[%get3A_639] {strides = array<i32>} : memref<640xi32, #tpu.memory_space<vmem>>, vector<16xi32>,
    %get3A_641 = vector.shape_cast %get3A_640 : vector<16xi32> to vector<16xi32>
    %add3A_642 = arith.addi %mul3A_638, %get3A_641 : vector<16xi32>
    %swap3A_643 = arith.constant 4 : i32
    %swap3A_644 = arith.index_cast %swap3A_643 : i32 to index
    %swap3A_645 = arith.constant 80 : index
    %swap3A_646 = tpu.vector_load %arg8[%swap3A_644, %swap3A_645] {strides = array<i32>} : memref<5x128xi32, #tpu.memory_space<vmem>>, vector<1x16xi32>,
    %swap3A_647 = vector.shape_cast %swap3A_646 : vector<1x16xi32> to vector<16xi32>
    %swap3A_648 = vector.shape_cast %add3A_642 : vector<16xi32> to vector<1x16xi32>
    tpu.vector_store %arg8[%swap3A_644, %swap3A_645], %swap3A_648 {strides = array<i32>} : memref<5x128xi32, #tpu.memory_space<vmem>>, vector<1x16xi32>,
    %get3A_649 = arith.constant 608 : index
    %get3A_650 = tpu.vector_load %arg6[%get3A_649] {strides = array<i32>} : memref<640xi32, #tpu.memory_space<vmem>>, vector<16xi32>,
    %get3A_651 = vector.shape_cast %get3A_650 : vector<16xi32> to vector<16xi32>
    %mul3A_652 = arith.constant 1024 : i32
    %mul3A_653 = vector.broadcast %mul3A_652 : i32 to vector<16xi32>
    %mul3A_654 = arith.muli %get3A_651, %mul3A_653 : vector<16xi32>
    %get3A_655 = arith.constant 608 : index
    %get3A_656 = tpu.vector_load %arg7[%get3A_655] {strides = array<i32>} : memref<640xi32, #tpu.memory_space<vmem>>, vector<16xi32>,
    %get3A_657 = vector.shape_cast %get3A_656 : vector<16xi32> to vector<16xi32>
    %add3A_658 = arith.addi %mul3A_654, %get3A_657 : vector<16xi32>
    %swap3A_659 = arith.constant 4 : i32
    %swap3A_660 = arith.index_cast %swap3A_659 : i32 to index
    %swap3A_661 = arith.constant 96 : index
    %swap3A_662 = tpu.vector_load %arg8[%swap3A_660, %swap3A_661] {strides = array<i32>} : memref<5x128xi32, #tpu.memory_space<vmem>>, vector<1x16xi32>,
    %swap3A_663 = vector.shape_cast %swap3A_662 : vector<1x16xi32> to vector<16xi32>
    %swap3A_664 = vector.shape_cast %add3A_658 : vector<16xi32> to vector<1x16xi32>
    tpu.vector_store %arg8[%swap3A_660, %swap3A_661], %swap3A_664 {strides = array<i32>} : memref<5x128xi32, #tpu.memory_space<vmem>>, vector<1x16xi32>,
    %get3A_665 = arith.constant 624 : index
    %get3A_666 = tpu.vector_load %arg6[%get3A_665] {strides = array<i32>} : memref<640xi32, #tpu.memory_space<vmem>>, vector<16xi32>,
    %get3A_667 = vector.shape_cast %get3A_666 : vector<16xi32> to vector<16xi32>
    %mul3A_668 = arith.constant 1024 : i32
    %mul3A_669 = vector.broadcast %mul3A_668 : i32 to vector<16xi32>
    %mul3A_670 = arith.muli %get3A_667, %mul3A_669 : vector<16xi32>
    %get3A_671 = arith.constant 624 : index
    %get3A_672 = tpu.vector_load %arg7[%get3A_671] {strides = array<i32>} : memref<640xi32, #tpu.memory_space<vmem>>, vector<16xi32>,
    %get3A_673 = vector.shape_cast %get3A_672 : vector<16xi32> to vector<16xi32>
    %add3A_674 = arith.addi %mul3A_670, %get3A_673 : vector<16xi32>
    %swap3A_675 = arith.constant 4 : i32
    %swap3A_676 = arith.index_cast %swap3A_675 : i32 to index
    %swap3A_677 = arith.constant 112 : index
    %swap3A_678 = tpu.vector_load %arg8[%swap3A_676, %swap3A_677] {strides = array<i32>} : memref<5x128xi32, #tpu.memory_space<vmem>>, vector<1x16xi32>,
    %swap3A_679 = vector.shape_cast %swap3A_678 : vector<1x16xi32> to vector<16xi32>
    %swap3A_680 = vector.shape_cast %add3A_674 : vector<16xi32> to vector<1x16xi32>
    tpu.vector_store %arg8[%swap3A_676, %swap3A_677], %swap3A_680 {strides = array<i32>} : memref<5x128xi32, #tpu.memory_space<vmem>>, vector<1x16xi32>,
    %dma_start3A_681 = arith.constant 4 : i32
    %dma_start3A_682 = arith.constant 4 : i32
    %dma_start3A_683 = arith.constant 0 : i32
    %dma_start3A_684 = tpu.memref_slice %arg9[%dma_start3A_682, %dma_start3A_683] : memref<5x128xf32, #tpu.memory_space<vmem>> -> memref<1x128xf32, #tpu.memory_space<vmem>>
    %dma_start3A_685 = tpu.memref_squeeze %dma_start3A_684 : memref<1x128xf32, #tpu.memory_space<vmem>> -> memref<128xf32, #tpu.memory_space<vmem>>
    %dma_start3A_686 = arith.constant 0 : i32
    %dma_start3A_687 = tpu.memref_slice %arg8[%dma_start3A_681, %dma_start3A_686] : memref<5x128xi32, #tpu.memory_space<vmem>> -> memref<1x128xi32, #tpu.memory_space<vmem>>
    %dma_start3A_688 = tpu.memref_squeeze %dma_start3A_687 : memref<1x128xi32, #tpu.memory_space<vmem>> -> memref<128xi32, #tpu.memory_space<vmem>>
    %dma_start3A_689 = arith.constant 0 : i32
    %dma_start3A_690 = tpu.memref_slice %arg4[%dma_start3A_689] : memref<1048576xf32, #tpu.memory_space<hbm>> -> memref<1048576xf32, #tpu.memory_space<hbm>>
    tpu.enqueue_indirect_dma source(%dma_start3A_690 : memref<1048576xf32, #tpu.memory_space<hbm>>) target(%dma_start3A_685 : memref<128xf32, #tpu.memory_space<vmem>>) offsets(%dma_start3A_688 : memref<128xi32, #tpu.memory_space<vmem>>) semaphore(%arg11 : memref<!tpu.dma_semaphore, #tpu.memory_space<semaphore_mem>>)
    %broadcast_in_dim3A = arith.constant 0.000000e+00 : f32
    %broadcast_in_dim3A_691 = vector.broadcast %broadcast_in_dim3A : f32 to vector<16xf32>
    %iota3A = tpu.iota {dimensions = array<i32: 0>} : vector<16xi32>
    %dma_wait3A = arith.constant 0 : i32
    %dma_wait3A_692 = arith.constant 0 : i32
    %dma_wait3A_693 = arith.constant 0 : i32
    %dma_wait3A_694 = tpu.memref_slice %arg9[%dma_wait3A_692, %dma_wait3A_693] : memref<5x128xf32, #tpu.memory_space<vmem>> -> memref<1x128xf32, #tpu.memory_space<vmem>>
    %dma_wait3A_695 = tpu.memref_squeeze %dma_wait3A_694 : memref<1x128xf32, #tpu.memory_space<vmem>> -> memref<128xf32, #tpu.memory_space<vmem>>
    %dma_wait3A_696 = arith.constant 0 : i32
    %dma_wait3A_697 = tpu.memref_slice %arg8[%dma_wait3A, %dma_wait3A_696] : memref<5x128xi32, #tpu.memory_space<vmem>> -> memref<1x128xi32, #tpu.memory_space<vmem>>
    %dma_wait3A_698 = tpu.memref_squeeze %dma_wait3A_697 : memref<1x128xi32, #tpu.memory_space<vmem>> -> memref<128xi32, #tpu.memory_space<vmem>>
    %dma_wait3A_699 = arith.constant 0 : i32
    %dma_wait3A_700 = tpu.memref_slice %arg4[%dma_wait3A_699] : memref<1048576xf32, #tpu.memory_space<hbm>> -> memref<1048576xf32, #tpu.memory_space<hbm>>
    tpu.wait_indirect_dma semaphore(%arg11 : memref<!tpu.dma_semaphore, #tpu.memory_space<semaphore_mem>>) src(%dma_wait3A_700 : memref<1048576xf32, #tpu.memory_space<hbm>>) dst(%dma_wait3A_695 : memref<128xf32, #tpu.memory_space<vmem>>)
    %add3A_701 = arith.constant 0 : i32
    %add3A_702 = arith.addi %min3A_3, %add3A_701 : i32
    %add3A_703 = arith.constant 0 : i32
    %add3A_704 = arith.addi %add3A_702, %add3A_703 : i32
    %add3A_705 = vector.broadcast %add3A_704 : i32 to vector<16xi32>
    %add3A_706 = arith.addi %add3A_705, %iota3A : vector<16xi32>
    %get3A_707 = arith.constant 0 : i32
    %get3A_708 = arith.index_cast %get3A_707 : i32 to index
    %get3A_709 = arith.constant 0 : index
    %get3A_710 = tpu.vector_load %arg9[%get3A_708, %get3A_709] {strides = array<i32>} : memref<5x128xf32, #tpu.memory_space<vmem>>, vector<1x16xf32>,
    %get3A_711 = vector.shape_cast %get3A_710 : vector<1x16xf32> to vector<16xf32>
    %ge3A = vector.broadcast %mul3A_2 : i32 to vector<16xi32>
    %ge3A_712 = arith.cmpi sge, %add3A_706, %ge3A : vector<16xi32>
    %jit3A = arith.constant 0.000000e+00 : f32
    %broadcast_in_dim3A_713 = vector.broadcast %jit3A : f32 to vector<16xf32>
    %select_n3A = arith.select %ge3A_712, %get3A_711, %broadcast_in_dim3A_713 : vector<16xi1>, vector<16xf32>
    %add3A_714 = arith.addf %broadcast_in_dim3A_691, %select_n3A : vector<16xf32>
    %add3A_715 = arith.constant 0 : i32
    %add3A_716 = arith.addi %min3A_3, %add3A_715 : i32
    %add3A_717 = arith.constant 16 : i32
    %add3A_718 = arith.addi %add3A_716, %add3A_717 : i32
    %add3A_719 = vector.broadcast %add3A_718 : i32 to vector<16xi32>
    %add3A_720 = arith.addi %add3A_719, %iota3A : vector<16xi32>
    %get3A_721 = arith.constant 0 : i32
    %get3A_722 = arith.index_cast %get3A_721 : i32 to index
    %get3A_723 = arith.constant 16 : index
    %get3A_724 = tpu.vector_load %arg9[%get3A_722, %get3A_723] {strides = array<i32>} : memref<5x128xf32, #tpu.memory_space<vmem>>, vector<1x16xf32>,
    %get3A_725 = vector.shape_cast %get3A_724 : vector<1x16xf32> to vector<16xf32>
    %ge3A_726 = vector.broadcast %mul3A_2 : i32 to vector<16xi32>
    %ge3A_727 = arith.cmpi sge, %add3A_720, %ge3A_726 : vector<16xi32>
    %jit3A_728 = arith.constant 0.000000e+00 : f32
    %broadcast_in_dim3A_729 = vector.broadcast %jit3A_728 : f32 to vector<16xf32>
    %select_n3A_730 = arith.select %ge3A_727, %get3A_725, %broadcast_in_dim3A_729 : vector<16xi1>, vector<16xf32>
    %add3A_731 = arith.addf %add3A_714, %select_n3A_730 : vector<16xf32>
    %add3A_732 = arith.constant 0 : i32
    %add3A_733 = arith.addi %min3A_3, %add3A_732 : i32
    %add3A_734 = arith.constant 32 : i32
    %add3A_735 = arith.addi %add3A_733, %add3A_734 : i32
    %add3A_736 = vector.broadcast %add3A_735 : i32 to vector<16xi32>
    %add3A_737 = arith.addi %add3A_736, %iota3A : vector<16xi32>
    %get3A_738 = arith.constant 0 : i32
    %get3A_739 = arith.index_cast %get3A_738 : i32 to index
    %get3A_740 = arith.constant 32 : index
    %get3A_741 = tpu.vector_load %arg9[%get3A_739, %get3A_740] {strides = array<i32>} : memref<5x128xf32, #tpu.memory_space<vmem>>, vector<1x16xf32>,
    %get3A_742 = vector.shape_cast %get3A_741 : vector<1x16xf32> to vector<16xf32>
    %ge3A_743 = vector.broadcast %mul3A_2 : i32 to vector<16xi32>
    %ge3A_744 = arith.cmpi sge, %add3A_737, %ge3A_743 : vector<16xi32>
    %jit3A_745 = arith.constant 0.000000e+00 : f32
    %broadcast_in_dim3A_746 = vector.broadcast %jit3A_745 : f32 to vector<16xf32>
    %select_n3A_747 = arith.select %ge3A_744, %get3A_742, %broadcast_in_dim3A_746 : vector<16xi1>, vector<16xf32>
    %add3A_748 = arith.addf %add3A_731, %select_n3A_747 : vector<16xf32>
    %add3A_749 = arith.constant 0 : i32
    %add3A_750 = arith.addi %min3A_3, %add3A_749 : i32
    %add3A_751 = arith.constant 48 : i32
    %add3A_752 = arith.addi %add3A_750, %add3A_751 : i32
    %add3A_753 = vector.broadcast %add3A_752 : i32 to vector<16xi32>
    %add3A_754 = arith.addi %add3A_753, %iota3A : vector<16xi32>
    %get3A_755 = arith.constant 0 : i32
    %get3A_756 = arith.index_cast %get3A_755 : i32 to index
    %get3A_757 = arith.constant 48 : index
    %get3A_758 = tpu.vector_load %arg9[%get3A_756, %get3A_757] {strides = array<i32>} : memref<5x128xf32, #tpu.memory_space<vmem>>, vector<1x16xf32>,
    %get3A_759 = vector.shape_cast %get3A_758 : vector<1x16xf32> to vector<16xf32>
    %ge3A_760 = vector.broadcast %mul3A_2 : i32 to vector<16xi32>
    %ge3A_761 = arith.cmpi sge, %add3A_754, %ge3A_760 : vector<16xi32>
    %jit3A_762 = arith.constant 0.000000e+00 : f32
    %broadcast_in_dim3A_763 = vector.broadcast %jit3A_762 : f32 to vector<16xf32>
    %select_n3A_764 = arith.select %ge3A_761, %get3A_759, %broadcast_in_dim3A_763 : vector<16xi1>, vector<16xf32>
    %add3A_765 = arith.addf %add3A_748, %select_n3A_764 : vector<16xf32>
    %add3A_766 = arith.constant 0 : i32
    %add3A_767 = arith.addi %min3A_3, %add3A_766 : i32
    %add3A_768 = arith.constant 64 : i32
    %add3A_769 = arith.addi %add3A_767, %add3A_768 : i32
    %add3A_770 = vector.broadcast %add3A_769 : i32 to vector<16xi32>
    %add3A_771 = arith.addi %add3A_770, %iota3A : vector<16xi32>
    %get3A_772 = arith.constant 0 : i32
    %get3A_773 = arith.index_cast %get3A_772 : i32 to index
    %get3A_774 = arith.constant 64 : index
    %get3A_775 = tpu.vector_load %arg9[%get3A_773, %get3A_774] {strides = array<i32>} : memref<5x128xf32, #tpu.memory_space<vmem>>, vector<1x16xf32>,
    %get3A_776 = vector.shape_cast %get3A_775 : vector<1x16xf32> to vector<16xf32>
    %ge3A_777 = vector.broadcast %mul3A_2 : i32 to vector<16xi32>
    %ge3A_778 = arith.cmpi sge, %add3A_771, %ge3A_777 : vector<16xi32>
    %jit3A_779 = arith.constant 0.000000e+00 : f32
    %broadcast_in_dim3A_780 = vector.broadcast %jit3A_779 : f32 to vector<16xf32>
    %select_n3A_781 = arith.select %ge3A_778, %get3A_776, %broadcast_in_dim3A_780 : vector<16xi1>, vector<16xf32>
    %add3A_782 = arith.addf %add3A_765, %select_n3A_781 : vector<16xf32>
    %add3A_783 = arith.constant 0 : i32
    %add3A_784 = arith.addi %min3A_3, %add3A_783 : i32
    %add3A_785 = arith.constant 80 : i32
    %add3A_786 = arith.addi %add3A_784, %add3A_785 : i32
    %add3A_787 = vector.broadcast %add3A_786 : i32 to vector<16xi32>
    %add3A_788 = arith.addi %add3A_787, %iota3A : vector<16xi32>
    %get3A_789 = arith.constant 0 : i32
    %get3A_790 = arith.index_cast %get3A_789 : i32 to index
    %get3A_791 = arith.constant 80 : index
    %get3A_792 = tpu.vector_load %arg9[%get3A_790, %get3A_791] {strides = array<i32>} : memref<5x128xf32, #tpu.memory_space<vmem>>, vector<1x16xf32>,
    %get3A_793 = vector.shape_cast %get3A_792 : vector<1x16xf32> to vector<16xf32>
    %ge3A_794 = vector.broadcast %mul3A_2 : i32 to vector<16xi32>
    %ge3A_795 = arith.cmpi sge, %add3A_788, %ge3A_794 : vector<16xi32>
    %jit3A_796 = arith.constant 0.000000e+00 : f32
    %broadcast_in_dim3A_797 = vector.broadcast %jit3A_796 : f32 to vector<16xf32>
    %select_n3A_798 = arith.select %ge3A_795, %get3A_793, %broadcast_in_dim3A_797 : vector<16xi1>, vector<16xf32>
    %add3A_799 = arith.addf %add3A_782, %select_n3A_798 : vector<16xf32>
    %add3A_800 = arith.constant 0 : i32
    %add3A_801 = arith.addi %min3A_3, %add3A_800 : i32
    %add3A_802 = arith.constant 96 : i32
    %add3A_803 = arith.addi %add3A_801, %add3A_802 : i32
    %add3A_804 = vector.broadcast %add3A_803 : i32 to vector<16xi32>
    %add3A_805 = arith.addi %add3A_804, %iota3A : vector<16xi32>
    %get3A_806 = arith.constant 0 : i32
    %get3A_807 = arith.index_cast %get3A_806 : i32 to index
    %get3A_808 = arith.constant 96 : index
    %get3A_809 = tpu.vector_load %arg9[%get3A_807, %get3A_808] {strides = array<i32>} : memref<5x128xf32, #tpu.memory_space<vmem>>, vector<1x16xf32>,
    %get3A_810 = vector.shape_cast %get3A_809 : vector<1x16xf32> to vector<16xf32>
    %ge3A_811 = vector.broadcast %mul3A_2 : i32 to vector<16xi32>
    %ge3A_812 = arith.cmpi sge, %add3A_805, %ge3A_811 : vector<16xi32>
    %jit3A_813 = arith.constant 0.000000e+00 : f32
    %broadcast_in_dim3A_814 = vector.broadcast %jit3A_813 : f32 to vector<16xf32>
    %select_n3A_815 = arith.select %ge3A_812, %get3A_810, %broadcast_in_dim3A_814 : vector<16xi1>, vector<16xf32>
    %add3A_816 = arith.addf %add3A_799, %select_n3A_815 : vector<16xf32>
    %add3A_817 = arith.constant 0 : i32
    %add3A_818 = arith.addi %min3A_3, %add3A_817 : i32
    %add3A_819 = arith.constant 112 : i32
    %add3A_820 = arith.addi %add3A_818, %add3A_819 : i32
    %add3A_821 = vector.broadcast %add3A_820 : i32 to vector<16xi32>
    %add3A_822 = arith.addi %add3A_821, %iota3A : vector<16xi32>
    %get3A_823 = arith.constant 0 : i32
    %get3A_824 = arith.index_cast %get3A_823 : i32 to index
    %get3A_825 = arith.constant 112 : index
    %get3A_826 = tpu.vector_load %arg9[%get3A_824, %get3A_825] {strides = array<i32>} : memref<5x128xf32, #tpu.memory_space<vmem>>, vector<1x16xf32>,
    %get3A_827 = vector.shape_cast %get3A_826 : vector<1x16xf32> to vector<16xf32>
    %ge3A_828 = vector.broadcast %mul3A_2 : i32 to vector<16xi32>
    %ge3A_829 = arith.cmpi sge, %add3A_822, %ge3A_828 : vector<16xi32>
    %jit3A_830 = arith.constant 0.000000e+00 : f32
    %broadcast_in_dim3A_831 = vector.broadcast %jit3A_830 : f32 to vector<16xf32>
    %select_n3A_832 = arith.select %ge3A_829, %get3A_827, %broadcast_in_dim3A_831 : vector<16xi1>, vector<16xf32>
    %add3A_833 = arith.addf %add3A_816, %select_n3A_832 : vector<16xf32>
    %dma_wait3A_834 = arith.constant 1 : i32
    %dma_wait3A_835 = arith.constant 1 : i32
    %dma_wait3A_836 = arith.constant 0 : i32
    %dma_wait3A_837 = tpu.memref_slice %arg9[%dma_wait3A_835, %dma_wait3A_836] : memref<5x128xf32, #tpu.memory_space<vmem>> -> memref<1x128xf32, #tpu.memory_space<vmem>>
    %dma_wait3A_838 = tpu.memref_squeeze %dma_wait3A_837 : memref<1x128xf32, #tpu.memory_space<vmem>> -> memref<128xf32, #tpu.memory_space<vmem>>
    %dma_wait3A_839 = arith.constant 0 : i32
    %dma_wait3A_840 = tpu.memref_slice %arg8[%dma_wait3A_834, %dma_wait3A_839] : memref<5x128xi32, #tpu.memory_space<vmem>> -> memref<1x128xi32, #tpu.memory_space<vmem>>
    %dma_wait3A_841 = tpu.memref_squeeze %dma_wait3A_840 : memref<1x128xi32, #tpu.memory_space<vmem>> -> memref<128xi32, #tpu.memory_space<vmem>>
    %dma_wait3A_842 = arith.constant 0 : i32
    %dma_wait3A_843 = tpu.memref_slice %arg4[%dma_wait3A_842] : memref<1048576xf32, #tpu.memory_space<hbm>> -> memref<1048576xf32, #tpu.memory_space<hbm>>
    tpu.wait_indirect_dma semaphore(%arg11 : memref<!tpu.dma_semaphore, #tpu.memory_space<semaphore_mem>>) src(%dma_wait3A_843 : memref<1048576xf32, #tpu.memory_space<hbm>>) dst(%dma_wait3A_838 : memref<128xf32, #tpu.memory_space<vmem>>)
    %add3A_844 = arith.constant 128 : i32
    %add3A_845 = arith.addi %min3A_3, %add3A_844 : i32
    %add3A_846 = arith.constant 0 : i32
    %add3A_847 = arith.addi %add3A_845, %add3A_846 : i32
    %add3A_848 = vector.broadcast %add3A_847 : i32 to vector<16xi32>
    %add3A_849 = arith.addi %add3A_848, %iota3A : vector<16xi32>
    %get3A_850 = arith.constant 1 : i32
    %get3A_851 = arith.index_cast %get3A_850 : i32 to index
    %get3A_852 = arith.constant 0 : index
    %get3A_853 = tpu.vector_load %arg9[%get3A_851, %get3A_852] {strides = array<i32>} : memref<5x128xf32, #tpu.memory_space<vmem>>, vector<1x16xf32>,
    %get3A_854 = vector.shape_cast %get3A_853 : vector<1x16xf32> to vector<16xf32>
    %ge3A_855 = vector.broadcast %mul3A_2 : i32 to vector<16xi32>
    %ge3A_856 = arith.cmpi sge, %add3A_849, %ge3A_855 : vector<16xi32>
    %jit3A_857 = arith.constant 0.000000e+00 : f32
    %broadcast_in_dim3A_858 = vector.broadcast %jit3A_857 : f32 to vector<16xf32>
    %select_n3A_859 = arith.select %ge3A_856, %get3A_854, %broadcast_in_dim3A_858 : vector<16xi1>, vector<16xf32>
    %add3A_860 = arith.addf %add3A_833, %select_n3A_859 : vector<16xf32>
    %add3A_861 = arith.constant 128 : i32
    %add3A_862 = arith.addi %min3A_3, %add3A_861 : i32
    %add3A_863 = arith.constant 16 : i32
    %add3A_864 = arith.addi %add3A_862, %add3A_863 : i32
    %add3A_865 = vector.broadcast %add3A_864 : i32 to vector<16xi32>
    %add3A_866 = arith.addi %add3A_865, %iota3A : vector<16xi32>
    %get3A_867 = arith.constant 1 : i32
    %get3A_868 = arith.index_cast %get3A_867 : i32 to index
    %get3A_869 = arith.constant 16 : index
    %get3A_870 = tpu.vector_load %arg9[%get3A_868, %get3A_869] {strides = array<i32>} : memref<5x128xf32, #tpu.memory_space<vmem>>, vector<1x16xf32>,
    %get3A_871 = vector.shape_cast %get3A_870 : vector<1x16xf32> to vector<16xf32>
    %ge3A_872 = vector.broadcast %mul3A_2 : i32 to vector<16xi32>
    %ge3A_873 = arith.cmpi sge, %add3A_866, %ge3A_872 : vector<16xi32>
    %jit3A_874 = arith.constant 0.000000e+00 : f32
    %broadcast_in_dim3A_875 = vector.broadcast %jit3A_874 : f32 to vector<16xf32>
    %select_n3A_876 = arith.select %ge3A_873, %get3A_871, %broadcast_in_dim3A_875 : vector<16xi1>, vector<16xf32>
    %add3A_877 = arith.addf %add3A_860, %select_n3A_876 : vector<16xf32>
    %add3A_878 = arith.constant 128 : i32
    %add3A_879 = arith.addi %min3A_3, %add3A_878 : i32
    %add3A_880 = arith.constant 32 : i32
    %add3A_881 = arith.addi %add3A_879, %add3A_880 : i32
    %add3A_882 = vector.broadcast %add3A_881 : i32 to vector<16xi32>
    %add3A_883 = arith.addi %add3A_882, %iota3A : vector<16xi32>
    %get3A_884 = arith.constant 1 : i32
    %get3A_885 = arith.index_cast %get3A_884 : i32 to index
    %get3A_886 = arith.constant 32 : index
    %get3A_887 = tpu.vector_load %arg9[%get3A_885, %get3A_886] {strides = array<i32>} : memref<5x128xf32, #tpu.memory_space<vmem>>, vector<1x16xf32>,
    %get3A_888 = vector.shape_cast %get3A_887 : vector<1x16xf32> to vector<16xf32>
    %ge3A_889 = vector.broadcast %mul3A_2 : i32 to vector<16xi32>
    %ge3A_890 = arith.cmpi sge, %add3A_883, %ge3A_889 : vector<16xi32>
    %jit3A_891 = arith.constant 0.000000e+00 : f32
    %broadcast_in_dim3A_892 = vector.broadcast %jit3A_891 : f32 to vector<16xf32>
    %select_n3A_893 = arith.select %ge3A_890, %get3A_888, %broadcast_in_dim3A_892 : vector<16xi1>, vector<16xf32>
    %add3A_894 = arith.addf %add3A_877, %select_n3A_893 : vector<16xf32>
    %add3A_895 = arith.constant 128 : i32
    %add3A_896 = arith.addi %min3A_3, %add3A_895 : i32
    %add3A_897 = arith.constant 48 : i32
    %add3A_898 = arith.addi %add3A_896, %add3A_897 : i32
    %add3A_899 = vector.broadcast %add3A_898 : i32 to vector<16xi32>
    %add3A_900 = arith.addi %add3A_899, %iota3A : vector<16xi32>
    %get3A_901 = arith.constant 1 : i32
    %get3A_902 = arith.index_cast %get3A_901 : i32 to index
    %get3A_903 = arith.constant 48 : index
    %get3A_904 = tpu.vector_load %arg9[%get3A_902, %get3A_903] {strides = array<i32>} : memref<5x128xf32, #tpu.memory_space<vmem>>, vector<1x16xf32>,
    %get3A_905 = vector.shape_cast %get3A_904 : vector<1x16xf32> to vector<16xf32>
    %ge3A_906 = vector.broadcast %mul3A_2 : i32 to vector<16xi32>
    %ge3A_907 = arith.cmpi sge, %add3A_900, %ge3A_906 : vector<16xi32>
    %jit3A_908 = arith.constant 0.000000e+00 : f32
    %broadcast_in_dim3A_909 = vector.broadcast %jit3A_908 : f32 to vector<16xf32>
    %select_n3A_910 = arith.select %ge3A_907, %get3A_905, %broadcast_in_dim3A_909 : vector<16xi1>, vector<16xf32>
    %add3A_911 = arith.addf %add3A_894, %select_n3A_910 : vector<16xf32>
    %add3A_912 = arith.constant 128 : i32
    %add3A_913 = arith.addi %min3A_3, %add3A_912 : i32
    %add3A_914 = arith.constant 64 : i32
    %add3A_915 = arith.addi %add3A_913, %add3A_914 : i32
    %add3A_916 = vector.broadcast %add3A_915 : i32 to vector<16xi32>
    %add3A_917 = arith.addi %add3A_916, %iota3A : vector<16xi32>
    %get3A_918 = arith.constant 1 : i32
    %get3A_919 = arith.index_cast %get3A_918 : i32 to index
    %get3A_920 = arith.constant 64 : index
    %get3A_921 = tpu.vector_load %arg9[%get3A_919, %get3A_920] {strides = array<i32>} : memref<5x128xf32, #tpu.memory_space<vmem>>, vector<1x16xf32>,
    %get3A_922 = vector.shape_cast %get3A_921 : vector<1x16xf32> to vector<16xf32>
    %ge3A_923 = vector.broadcast %mul3A_2 : i32 to vector<16xi32>
    %ge3A_924 = arith.cmpi sge, %add3A_917, %ge3A_923 : vector<16xi32>
    %jit3A_925 = arith.constant 0.000000e+00 : f32
    %broadcast_in_dim3A_926 = vector.broadcast %jit3A_925 : f32 to vector<16xf32>
    %select_n3A_927 = arith.select %ge3A_924, %get3A_922, %broadcast_in_dim3A_926 : vector<16xi1>, vector<16xf32>
    %add3A_928 = arith.addf %add3A_911, %select_n3A_927 : vector<16xf32>
    %add3A_929 = arith.constant 128 : i32
    %add3A_930 = arith.addi %min3A_3, %add3A_929 : i32
    %add3A_931 = arith.constant 80 : i32
    %add3A_932 = arith.addi %add3A_930, %add3A_931 : i32
    %add3A_933 = vector.broadcast %add3A_932 : i32 to vector<16xi32>
    %add3A_934 = arith.addi %add3A_933, %iota3A : vector<16xi32>
    %get3A_935 = arith.constant 1 : i32
    %get3A_936 = arith.index_cast %get3A_935 : i32 to index
    %get3A_937 = arith.constant 80 : index
    %get3A_938 = tpu.vector_load %arg9[%get3A_936, %get3A_937] {strides = array<i32>} : memref<5x128xf32, #tpu.memory_space<vmem>>, vector<1x16xf32>,
    %get3A_939 = vector.shape_cast %get3A_938 : vector<1x16xf32> to vector<16xf32>
    %ge3A_940 = vector.broadcast %mul3A_2 : i32 to vector<16xi32>
    %ge3A_941 = arith.cmpi sge, %add3A_934, %ge3A_940 : vector<16xi32>
    %jit3A_942 = arith.constant 0.000000e+00 : f32
    %broadcast_in_dim3A_943 = vector.broadcast %jit3A_942 : f32 to vector<16xf32>
    %select_n3A_944 = arith.select %ge3A_941, %get3A_939, %broadcast_in_dim3A_943 : vector<16xi1>, vector<16xf32>
    %add3A_945 = arith.addf %add3A_928, %select_n3A_944 : vector<16xf32>
    %add3A_946 = arith.constant 128 : i32
    %add3A_947 = arith.addi %min3A_3, %add3A_946 : i32
    %add3A_948 = arith.constant 96 : i32
    %add3A_949 = arith.addi %add3A_947, %add3A_948 : i32
    %add3A_950 = vector.broadcast %add3A_949 : i32 to vector<16xi32>
    %add3A_951 = arith.addi %add3A_950, %iota3A : vector<16xi32>
    %get3A_952 = arith.constant 1 : i32
    %get3A_953 = arith.index_cast %get3A_952 : i32 to index
    %get3A_954 = arith.constant 96 : index
    %get3A_955 = tpu.vector_load %arg9[%get3A_953, %get3A_954] {strides = array<i32>} : memref<5x128xf32, #tpu.memory_space<vmem>>, vector<1x16xf32>,
    %get3A_956 = vector.shape_cast %get3A_955 : vector<1x16xf32> to vector<16xf32>
    %ge3A_957 = vector.broadcast %mul3A_2 : i32 to vector<16xi32>
    %ge3A_958 = arith.cmpi sge, %add3A_951, %ge3A_957 : vector<16xi32>
    %jit3A_959 = arith.constant 0.000000e+00 : f32
    %broadcast_in_dim3A_960 = vector.broadcast %jit3A_959 : f32 to vector<16xf32>
    %select_n3A_961 = arith.select %ge3A_958, %get3A_956, %broadcast_in_dim3A_960 : vector<16xi1>, vector<16xf32>
    %add3A_962 = arith.addf %add3A_945, %select_n3A_961 : vector<16xf32>
    %add3A_963 = arith.constant 128 : i32
    %add3A_964 = arith.addi %min3A_3, %add3A_963 : i32
    %add3A_965 = arith.constant 112 : i32
    %add3A_966 = arith.addi %add3A_964, %add3A_965 : i32
    %add3A_967 = vector.broadcast %add3A_966 : i32 to vector<16xi32>
    %add3A_968 = arith.addi %add3A_967, %iota3A : vector<16xi32>
    %get3A_969 = arith.constant 1 : i32
    %get3A_970 = arith.index_cast %get3A_969 : i32 to index
    %get3A_971 = arith.constant 112 : index
    %get3A_972 = tpu.vector_load %arg9[%get3A_970, %get3A_971] {strides = array<i32>} : memref<5x128xf32, #tpu.memory_space<vmem>>, vector<1x16xf32>,
    %get3A_973 = vector.shape_cast %get3A_972 : vector<1x16xf32> to vector<16xf32>
    %ge3A_974 = vector.broadcast %mul3A_2 : i32 to vector<16xi32>
    %ge3A_975 = arith.cmpi sge, %add3A_968, %ge3A_974 : vector<16xi32>
    %jit3A_976 = arith.constant 0.000000e+00 : f32
    %broadcast_in_dim3A_977 = vector.broadcast %jit3A_976 : f32 to vector<16xf32>
    %select_n3A_978 = arith.select %ge3A_975, %get3A_973, %broadcast_in_dim3A_977 : vector<16xi1>, vector<16xf32>
    %add3A_979 = arith.addf %add3A_962, %select_n3A_978 : vector<16xf32>
    %dma_wait3A_980 = arith.constant 2 : i32
    %dma_wait3A_981 = arith.constant 2 : i32
    %dma_wait3A_982 = arith.constant 0 : i32
    %dma_wait3A_983 = tpu.memref_slice %arg9[%dma_wait3A_981, %dma_wait3A_982] : memref<5x128xf32, #tpu.memory_space<vmem>> -> memref<1x128xf32, #tpu.memory_space<vmem>>
    %dma_wait3A_984 = tpu.memref_squeeze %dma_wait3A_983 : memref<1x128xf32, #tpu.memory_space<vmem>> -> memref<128xf32, #tpu.memory_space<vmem>>
    %dma_wait3A_985 = arith.constant 0 : i32
    %dma_wait3A_986 = tpu.memref_slice %arg8[%dma_wait3A_980, %dma_wait3A_985] : memref<5x128xi32, #tpu.memory_space<vmem>> -> memref<1x128xi32, #tpu.memory_space<vmem>>
    %dma_wait3A_987 = tpu.memref_squeeze %dma_wait3A_986 : memref<1x128xi32, #tpu.memory_space<vmem>> -> memref<128xi32, #tpu.memory_space<vmem>>
    %dma_wait3A_988 = arith.constant 0 : i32
    %dma_wait3A_989 = tpu.memref_slice %arg4[%dma_wait3A_988] : memref<1048576xf32, #tpu.memory_space<hbm>> -> memref<1048576xf32, #tpu.memory_space<hbm>>
    tpu.wait_indirect_dma semaphore(%arg11 : memref<!tpu.dma_semaphore, #tpu.memory_space<semaphore_mem>>) src(%dma_wait3A_989 : memref<1048576xf32, #tpu.memory_space<hbm>>) dst(%dma_wait3A_984 : memref<128xf32, #tpu.memory_space<vmem>>)
    %add3A_990 = arith.constant 256 : i32
    %add3A_991 = arith.addi %min3A_3, %add3A_990 : i32
    %add3A_992 = arith.constant 0 : i32
    %add3A_993 = arith.addi %add3A_991, %add3A_992 : i32
    %add3A_994 = vector.broadcast %add3A_993 : i32 to vector<16xi32>
    %add3A_995 = arith.addi %add3A_994, %iota3A : vector<16xi32>
    %get3A_996 = arith.constant 2 : i32
    %get3A_997 = arith.index_cast %get3A_996 : i32 to index
    %get3A_998 = arith.constant 0 : index
    %get3A_999 = tpu.vector_load %arg9[%get3A_997, %get3A_998] {strides = array<i32>} : memref<5x128xf32, #tpu.memory_space<vmem>>, vector<1x16xf32>,
    %get3A_1000 = vector.shape_cast %get3A_999 : vector<1x16xf32> to vector<16xf32>
    %ge3A_1001 = vector.broadcast %mul3A_2 : i32 to vector<16xi32>
    %ge3A_1002 = arith.cmpi sge, %add3A_995, %ge3A_1001 : vector<16xi32>
    %jit3A_1003 = arith.constant 0.000000e+00 : f32
    %broadcast_in_dim3A_1004 = vector.broadcast %jit3A_1003 : f32 to vector<16xf32>
    %select_n3A_1005 = arith.select %ge3A_1002, %get3A_1000, %broadcast_in_dim3A_1004 : vector<16xi1>, vector<16xf32>
    %add3A_1006 = arith.addf %add3A_979, %select_n3A_1005 : vector<16xf32>
    %add3A_1007 = arith.constant 256 : i32
    %add3A_1008 = arith.addi %min3A_3, %add3A_1007 : i32
    %add3A_1009 = arith.constant 16 : i32
    %add3A_1010 = arith.addi %add3A_1008, %add3A_1009 : i32
    %add3A_1011 = vector.broadcast %add3A_1010 : i32 to vector<16xi32>
    %add3A_1012 = arith.addi %add3A_1011, %iota3A : vector<16xi32>
    %get3A_1013 = arith.constant 2 : i32
    %get3A_1014 = arith.index_cast %get3A_1013 : i32 to index
    %get3A_1015 = arith.constant 16 : index
    %get3A_1016 = tpu.vector_load %arg9[%get3A_1014, %get3A_1015] {strides = array<i32>} : memref<5x128xf32, #tpu.memory_space<vmem>>, vector<1x16xf32>,
    %get3A_1017 = vector.shape_cast %get3A_1016 : vector<1x16xf32> to vector<16xf32>
    %ge3A_1018 = vector.broadcast %mul3A_2 : i32 to vector<16xi32>
    %ge3A_1019 = arith.cmpi sge, %add3A_1012, %ge3A_1018 : vector<16xi32>
    %jit3A_1020 = arith.constant 0.000000e+00 : f32
    %broadcast_in_dim3A_1021 = vector.broadcast %jit3A_1020 : f32 to vector<16xf32>
    %select_n3A_1022 = arith.select %ge3A_1019, %get3A_1017, %broadcast_in_dim3A_1021 : vector<16xi1>, vector<16xf32>
    %add3A_1023 = arith.addf %add3A_1006, %select_n3A_1022 : vector<16xf32>
    %add3A_1024 = arith.constant 256 : i32
    %add3A_1025 = arith.addi %min3A_3, %add3A_1024 : i32
    %add3A_1026 = arith.constant 32 : i32
    %add3A_1027 = arith.addi %add3A_1025, %add3A_1026 : i32
    %add3A_1028 = vector.broadcast %add3A_1027 : i32 to vector<16xi32>
    %add3A_1029 = arith.addi %add3A_1028, %iota3A : vector<16xi32>
    %get3A_1030 = arith.constant 2 : i32
    %get3A_1031 = arith.index_cast %get3A_1030 : i32 to index
    %get3A_1032 = arith.constant 32 : index
    %get3A_1033 = tpu.vector_load %arg9[%get3A_1031, %get3A_1032] {strides = array<i32>} : memref<5x128xf32, #tpu.memory_space<vmem>>, vector<1x16xf32>,
    %get3A_1034 = vector.shape_cast %get3A_1033 : vector<1x16xf32> to vector<16xf32>
    %ge3A_1035 = vector.broadcast %mul3A_2 : i32 to vector<16xi32>
    %ge3A_1036 = arith.cmpi sge, %add3A_1029, %ge3A_1035 : vector<16xi32>
    %jit3A_1037 = arith.constant 0.000000e+00 : f32
    %broadcast_in_dim3A_1038 = vector.broadcast %jit3A_1037 : f32 to vector<16xf32>
    %select_n3A_1039 = arith.select %ge3A_1036, %get3A_1034, %broadcast_in_dim3A_1038 : vector<16xi1>, vector<16xf32>
    %add3A_1040 = arith.addf %add3A_1023, %select_n3A_1039 : vector<16xf32>
    %add3A_1041 = arith.constant 256 : i32
    %add3A_1042 = arith.addi %min3A_3, %add3A_1041 : i32
    %add3A_1043 = arith.constant 48 : i32
    %add3A_1044 = arith.addi %add3A_1042, %add3A_1043 : i32
    %add3A_1045 = vector.broadcast %add3A_1044 : i32 to vector<16xi32>
    %add3A_1046 = arith.addi %add3A_1045, %iota3A : vector<16xi32>
    %get3A_1047 = arith.constant 2 : i32
    %get3A_1048 = arith.index_cast %get3A_1047 : i32 to index
    %get3A_1049 = arith.constant 48 : index
    %get3A_1050 = tpu.vector_load %arg9[%get3A_1048, %get3A_1049] {strides = array<i32>} : memref<5x128xf32, #tpu.memory_space<vmem>>, vector<1x16xf32>,
    %get3A_1051 = vector.shape_cast %get3A_1050 : vector<1x16xf32> to vector<16xf32>
    %ge3A_1052 = vector.broadcast %mul3A_2 : i32 to vector<16xi32>
    %ge3A_1053 = arith.cmpi sge, %add3A_1046, %ge3A_1052 : vector<16xi32>
    %jit3A_1054 = arith.constant 0.000000e+00 : f32
    %broadcast_in_dim3A_1055 = vector.broadcast %jit3A_1054 : f32 to vector<16xf32>
    %select_n3A_1056 = arith.select %ge3A_1053, %get3A_1051, %broadcast_in_dim3A_1055 : vector<16xi1>, vector<16xf32>
    %add3A_1057 = arith.addf %add3A_1040, %select_n3A_1056 : vector<16xf32>
    %add3A_1058 = arith.constant 256 : i32
    %add3A_1059 = arith.addi %min3A_3, %add3A_1058 : i32
    %add3A_1060 = arith.constant 64 : i32
    %add3A_1061 = arith.addi %add3A_1059, %add3A_1060 : i32
    %add3A_1062 = vector.broadcast %add3A_1061 : i32 to vector<16xi32>
    %add3A_1063 = arith.addi %add3A_1062, %iota3A : vector<16xi32>
    %get3A_1064 = arith.constant 2 : i32
    %get3A_1065 = arith.index_cast %get3A_1064 : i32 to index
    %get3A_1066 = arith.constant 64 : index
    %get3A_1067 = tpu.vector_load %arg9[%get3A_1065, %get3A_1066] {strides = array<i32>} : memref<5x128xf32, #tpu.memory_space<vmem>>, vector<1x16xf32>,
    %get3A_1068 = vector.shape_cast %get3A_1067 : vector<1x16xf32> to vector<16xf32>
    %ge3A_1069 = vector.broadcast %mul3A_2 : i32 to vector<16xi32>
    %ge3A_1070 = arith.cmpi sge, %add3A_1063, %ge3A_1069 : vector<16xi32>
    %jit3A_1071 = arith.constant 0.000000e+00 : f32
    %broadcast_in_dim3A_1072 = vector.broadcast %jit3A_1071 : f32 to vector<16xf32>
    %select_n3A_1073 = arith.select %ge3A_1070, %get3A_1068, %broadcast_in_dim3A_1072 : vector<16xi1>, vector<16xf32>
    %add3A_1074 = arith.addf %add3A_1057, %select_n3A_1073 : vector<16xf32>
    %add3A_1075 = arith.constant 256 : i32
    %add3A_1076 = arith.addi %min3A_3, %add3A_1075 : i32
    %add3A_1077 = arith.constant 80 : i32
    %add3A_1078 = arith.addi %add3A_1076, %add3A_1077 : i32
    %add3A_1079 = vector.broadcast %add3A_1078 : i32 to vector<16xi32>
    %add3A_1080 = arith.addi %add3A_1079, %iota3A : vector<16xi32>
    %get3A_1081 = arith.constant 2 : i32
    %get3A_1082 = arith.index_cast %get3A_1081 : i32 to index
    %get3A_1083 = arith.constant 80 : index
    %get3A_1084 = tpu.vector_load %arg9[%get3A_1082, %get3A_1083] {strides = array<i32>} : memref<5x128xf32, #tpu.memory_space<vmem>>, vector<1x16xf32>,
    %get3A_1085 = vector.shape_cast %get3A_1084 : vector<1x16xf32> to vector<16xf32>
    %ge3A_1086 = vector.broadcast %mul3A_2 : i32 to vector<16xi32>
    %ge3A_1087 = arith.cmpi sge, %add3A_1080, %ge3A_1086 : vector<16xi32>
    %jit3A_1088 = arith.constant 0.000000e+00 : f32
    %broadcast_in_dim3A_1089 = vector.broadcast %jit3A_1088 : f32 to vector<16xf32>
    %select_n3A_1090 = arith.select %ge3A_1087, %get3A_1085, %broadcast_in_dim3A_1089 : vector<16xi1>, vector<16xf32>
    %add3A_1091 = arith.addf %add3A_1074, %select_n3A_1090 : vector<16xf32>
    %add3A_1092 = arith.constant 256 : i32
    %add3A_1093 = arith.addi %min3A_3, %add3A_1092 : i32
    %add3A_1094 = arith.constant 96 : i32
    %add3A_1095 = arith.addi %add3A_1093, %add3A_1094 : i32
    %add3A_1096 = vector.broadcast %add3A_1095 : i32 to vector<16xi32>
    %add3A_1097 = arith.addi %add3A_1096, %iota3A : vector<16xi32>
    %get3A_1098 = arith.constant 2 : i32
    %get3A_1099 = arith.index_cast %get3A_1098 : i32 to index
    %get3A_1100 = arith.constant 96 : index
    %get3A_1101 = tpu.vector_load %arg9[%get3A_1099, %get3A_1100] {strides = array<i32>} : memref<5x128xf32, #tpu.memory_space<vmem>>, vector<1x16xf32>,
    %get3A_1102 = vector.shape_cast %get3A_1101 : vector<1x16xf32> to vector<16xf32>
    %ge3A_1103 = vector.broadcast %mul3A_2 : i32 to vector<16xi32>
    %ge3A_1104 = arith.cmpi sge, %add3A_1097, %ge3A_1103 : vector<16xi32>
    %jit3A_1105 = arith.constant 0.000000e+00 : f32
    %broadcast_in_dim3A_1106 = vector.broadcast %jit3A_1105 : f32 to vector<16xf32>
    %select_n3A_1107 = arith.select %ge3A_1104, %get3A_1102, %broadcast_in_dim3A_1106 : vector<16xi1>, vector<16xf32>
    %add3A_1108 = arith.addf %add3A_1091, %select_n3A_1107 : vector<16xf32>
    %add3A_1109 = arith.constant 256 : i32
    %add3A_1110 = arith.addi %min3A_3, %add3A_1109 : i32
    %add3A_1111 = arith.constant 112 : i32
    %add3A_1112 = arith.addi %add3A_1110, %add3A_1111 : i32
    %add3A_1113 = vector.broadcast %add3A_1112 : i32 to vector<16xi32>
    %add3A_1114 = arith.addi %add3A_1113, %iota3A : vector<16xi32>
    %get3A_1115 = arith.constant 2 : i32
    %get3A_1116 = arith.index_cast %get3A_1115 : i32 to index
    %get3A_1117 = arith.constant 112 : index
    %get3A_1118 = tpu.vector_load %arg9[%get3A_1116, %get3A_1117] {strides = array<i32>} : memref<5x128xf32, #tpu.memory_space<vmem>>, vector<1x16xf32>,
    %get3A_1119 = vector.shape_cast %get3A_1118 : vector<1x16xf32> to vector<16xf32>
    %ge3A_1120 = vector.broadcast %mul3A_2 : i32 to vector<16xi32>
    %ge3A_1121 = arith.cmpi sge, %add3A_1114, %ge3A_1120 : vector<16xi32>
    %jit3A_1122 = arith.constant 0.000000e+00 : f32
    %broadcast_in_dim3A_1123 = vector.broadcast %jit3A_1122 : f32 to vector<16xf32>
    %select_n3A_1124 = arith.select %ge3A_1121, %get3A_1119, %broadcast_in_dim3A_1123 : vector<16xi1>, vector<16xf32>
    %add3A_1125 = arith.addf %add3A_1108, %select_n3A_1124 : vector<16xf32>
    %dma_wait3A_1126 = arith.constant 3 : i32
    %dma_wait3A_1127 = arith.constant 3 : i32
    %dma_wait3A_1128 = arith.constant 0 : i32
    %dma_wait3A_1129 = tpu.memref_slice %arg9[%dma_wait3A_1127, %dma_wait3A_1128] : memref<5x128xf32, #tpu.memory_space<vmem>> -> memref<1x128xf32, #tpu.memory_space<vmem>>
    %dma_wait3A_1130 = tpu.memref_squeeze %dma_wait3A_1129 : memref<1x128xf32, #tpu.memory_space<vmem>> -> memref<128xf32, #tpu.memory_space<vmem>>
    %dma_wait3A_1131 = arith.constant 0 : i32
    %dma_wait3A_1132 = tpu.memref_slice %arg8[%dma_wait3A_1126, %dma_wait3A_1131] : memref<5x128xi32, #tpu.memory_space<vmem>> -> memref<1x128xi32, #tpu.memory_space<vmem>>
    %dma_wait3A_1133 = tpu.memref_squeeze %dma_wait3A_1132 : memref<1x128xi32, #tpu.memory_space<vmem>> -> memref<128xi32, #tpu.memory_space<vmem>>
    %dma_wait3A_1134 = arith.constant 0 : i32
    %dma_wait3A_1135 = tpu.memref_slice %arg4[%dma_wait3A_1134] : memref<1048576xf32, #tpu.memory_space<hbm>> -> memref<1048576xf32, #tpu.memory_space<hbm>>
    tpu.wait_indirect_dma semaphore(%arg11 : memref<!tpu.dma_semaphore, #tpu.memory_space<semaphore_mem>>) src(%dma_wait3A_1135 : memref<1048576xf32, #tpu.memory_space<hbm>>) dst(%dma_wait3A_1130 : memref<128xf32, #tpu.memory_space<vmem>>)
    %add3A_1136 = arith.constant 384 : i32
    %add3A_1137 = arith.addi %min3A_3, %add3A_1136 : i32
    %add3A_1138 = arith.constant 0 : i32
    %add3A_1139 = arith.addi %add3A_1137, %add3A_1138 : i32
    %add3A_1140 = vector.broadcast %add3A_1139 : i32 to vector<16xi32>
    %add3A_1141 = arith.addi %add3A_1140, %iota3A : vector<16xi32>
    %get3A_1142 = arith.constant 3 : i32
    %get3A_1143 = arith.index_cast %get3A_1142 : i32 to index
    %get3A_1144 = arith.constant 0 : index
    %get3A_1145 = tpu.vector_load %arg9[%get3A_1143, %get3A_1144] {strides = array<i32>} : memref<5x128xf32, #tpu.memory_space<vmem>>, vector<1x16xf32>,
    %get3A_1146 = vector.shape_cast %get3A_1145 : vector<1x16xf32> to vector<16xf32>
    %ge3A_1147 = vector.broadcast %mul3A_2 : i32 to vector<16xi32>
    %ge3A_1148 = arith.cmpi sge, %add3A_1141, %ge3A_1147 : vector<16xi32>
    %jit3A_1149 = arith.constant 0.000000e+00 : f32
    %broadcast_in_dim3A_1150 = vector.broadcast %jit3A_1149 : f32 to vector<16xf32>
    %select_n3A_1151 = arith.select %ge3A_1148, %get3A_1146, %broadcast_in_dim3A_1150 : vector<16xi1>, vector<16xf32>
    %add3A_1152 = arith.addf %add3A_1125, %select_n3A_1151 : vector<16xf32>
    %add3A_1153 = arith.constant 384 : i32
    %add3A_1154 = arith.addi %min3A_3, %add3A_1153 : i32
    %add3A_1155 = arith.constant 16 : i32
    %add3A_1156 = arith.addi %add3A_1154, %add3A_1155 : i32
    %add3A_1157 = vector.broadcast %add3A_1156 : i32 to vector<16xi32>
    %add3A_1158 = arith.addi %add3A_1157, %iota3A : vector<16xi32>
    %get3A_1159 = arith.constant 3 : i32
    %get3A_1160 = arith.index_cast %get3A_1159 : i32 to index
    %get3A_1161 = arith.constant 16 : index
    %get3A_1162 = tpu.vector_load %arg9[%get3A_1160, %get3A_1161] {strides = array<i32>} : memref<5x128xf32, #tpu.memory_space<vmem>>, vector<1x16xf32>,
    %get3A_1163 = vector.shape_cast %get3A_1162 : vector<1x16xf32> to vector<16xf32>
    %ge3A_1164 = vector.broadcast %mul3A_2 : i32 to vector<16xi32>
    %ge3A_1165 = arith.cmpi sge, %add3A_1158, %ge3A_1164 : vector<16xi32>
    %jit3A_1166 = arith.constant 0.000000e+00 : f32
    %broadcast_in_dim3A_1167 = vector.broadcast %jit3A_1166 : f32 to vector<16xf32>
    %select_n3A_1168 = arith.select %ge3A_1165, %get3A_1163, %broadcast_in_dim3A_1167 : vector<16xi1>, vector<16xf32>
    %add3A_1169 = arith.addf %add3A_1152, %select_n3A_1168 : vector<16xf32>
    %add3A_1170 = arith.constant 384 : i32
    %add3A_1171 = arith.addi %min3A_3, %add3A_1170 : i32
    %add3A_1172 = arith.constant 32 : i32
    %add3A_1173 = arith.addi %add3A_1171, %add3A_1172 : i32
    %add3A_1174 = vector.broadcast %add3A_1173 : i32 to vector<16xi32>
    %add3A_1175 = arith.addi %add3A_1174, %iota3A : vector<16xi32>
    %get3A_1176 = arith.constant 3 : i32
    %get3A_1177 = arith.index_cast %get3A_1176 : i32 to index
    %get3A_1178 = arith.constant 32 : index
    %get3A_1179 = tpu.vector_load %arg9[%get3A_1177, %get3A_1178] {strides = array<i32>} : memref<5x128xf32, #tpu.memory_space<vmem>>, vector<1x16xf32>,
    %get3A_1180 = vector.shape_cast %get3A_1179 : vector<1x16xf32> to vector<16xf32>
    %ge3A_1181 = vector.broadcast %mul3A_2 : i32 to vector<16xi32>
    %ge3A_1182 = arith.cmpi sge, %add3A_1175, %ge3A_1181 : vector<16xi32>
    %jit3A_1183 = arith.constant 0.000000e+00 : f32
    %broadcast_in_dim3A_1184 = vector.broadcast %jit3A_1183 : f32 to vector<16xf32>
    %select_n3A_1185 = arith.select %ge3A_1182, %get3A_1180, %broadcast_in_dim3A_1184 : vector<16xi1>, vector<16xf32>
    %add3A_1186 = arith.addf %add3A_1169, %select_n3A_1185 : vector<16xf32>
    %add3A_1187 = arith.constant 384 : i32
    %add3A_1188 = arith.addi %min3A_3, %add3A_1187 : i32
    %add3A_1189 = arith.constant 48 : i32
    %add3A_1190 = arith.addi %add3A_1188, %add3A_1189 : i32
    %add3A_1191 = vector.broadcast %add3A_1190 : i32 to vector<16xi32>
    %add3A_1192 = arith.addi %add3A_1191, %iota3A : vector<16xi32>
    %get3A_1193 = arith.constant 3 : i32
    %get3A_1194 = arith.index_cast %get3A_1193 : i32 to index
    %get3A_1195 = arith.constant 48 : index
    %get3A_1196 = tpu.vector_load %arg9[%get3A_1194, %get3A_1195] {strides = array<i32>} : memref<5x128xf32, #tpu.memory_space<vmem>>, vector<1x16xf32>,
    %get3A_1197 = vector.shape_cast %get3A_1196 : vector<1x16xf32> to vector<16xf32>
    %ge3A_1198 = vector.broadcast %mul3A_2 : i32 to vector<16xi32>
    %ge3A_1199 = arith.cmpi sge, %add3A_1192, %ge3A_1198 : vector<16xi32>
    %jit3A_1200 = arith.constant 0.000000e+00 : f32
    %broadcast_in_dim3A_1201 = vector.broadcast %jit3A_1200 : f32 to vector<16xf32>
    %select_n3A_1202 = arith.select %ge3A_1199, %get3A_1197, %broadcast_in_dim3A_1201 : vector<16xi1>, vector<16xf32>
    %add3A_1203 = arith.addf %add3A_1186, %select_n3A_1202 : vector<16xf32>
    %add3A_1204 = arith.constant 384 : i32
    %add3A_1205 = arith.addi %min3A_3, %add3A_1204 : i32
    %add3A_1206 = arith.constant 64 : i32
    %add3A_1207 = arith.addi %add3A_1205, %add3A_1206 : i32
    %add3A_1208 = vector.broadcast %add3A_1207 : i32 to vector<16xi32>
    %add3A_1209 = arith.addi %add3A_1208, %iota3A : vector<16xi32>
    %get3A_1210 = arith.constant 3 : i32
    %get3A_1211 = arith.index_cast %get3A_1210 : i32 to index
    %get3A_1212 = arith.constant 64 : index
    %get3A_1213 = tpu.vector_load %arg9[%get3A_1211, %get3A_1212] {strides = array<i32>} : memref<5x128xf32, #tpu.memory_space<vmem>>, vector<1x16xf32>,
    %get3A_1214 = vector.shape_cast %get3A_1213 : vector<1x16xf32> to vector<16xf32>
    %ge3A_1215 = vector.broadcast %mul3A_2 : i32 to vector<16xi32>
    %ge3A_1216 = arith.cmpi sge, %add3A_1209, %ge3A_1215 : vector<16xi32>
    %jit3A_1217 = arith.constant 0.000000e+00 : f32
    %broadcast_in_dim3A_1218 = vector.broadcast %jit3A_1217 : f32 to vector<16xf32>
    %select_n3A_1219 = arith.select %ge3A_1216, %get3A_1214, %broadcast_in_dim3A_1218 : vector<16xi1>, vector<16xf32>
    %add3A_1220 = arith.addf %add3A_1203, %select_n3A_1219 : vector<16xf32>
    %add3A_1221 = arith.constant 384 : i32
    %add3A_1222 = arith.addi %min3A_3, %add3A_1221 : i32
    %add3A_1223 = arith.constant 80 : i32
    %add3A_1224 = arith.addi %add3A_1222, %add3A_1223 : i32
    %add3A_1225 = vector.broadcast %add3A_1224 : i32 to vector<16xi32>
    %add3A_1226 = arith.addi %add3A_1225, %iota3A : vector<16xi32>
    %get3A_1227 = arith.constant 3 : i32
    %get3A_1228 = arith.index_cast %get3A_1227 : i32 to index
    %get3A_1229 = arith.constant 80 : index
    %get3A_1230 = tpu.vector_load %arg9[%get3A_1228, %get3A_1229] {strides = array<i32>} : memref<5x128xf32, #tpu.memory_space<vmem>>, vector<1x16xf32>,
    %get3A_1231 = vector.shape_cast %get3A_1230 : vector<1x16xf32> to vector<16xf32>
    %ge3A_1232 = vector.broadcast %mul3A_2 : i32 to vector<16xi32>
    %ge3A_1233 = arith.cmpi sge, %add3A_1226, %ge3A_1232 : vector<16xi32>
    %jit3A_1234 = arith.constant 0.000000e+00 : f32
    %broadcast_in_dim3A_1235 = vector.broadcast %jit3A_1234 : f32 to vector<16xf32>
    %select_n3A_1236 = arith.select %ge3A_1233, %get3A_1231, %broadcast_in_dim3A_1235 : vector<16xi1>, vector<16xf32>
    %add3A_1237 = arith.addf %add3A_1220, %select_n3A_1236 : vector<16xf32>
    %add3A_1238 = arith.constant 384 : i32
    %add3A_1239 = arith.addi %min3A_3, %add3A_1238 : i32
    %add3A_1240 = arith.constant 96 : i32
    %add3A_1241 = arith.addi %add3A_1239, %add3A_1240 : i32
    %add3A_1242 = vector.broadcast %add3A_1241 : i32 to vector<16xi32>
    %add3A_1243 = arith.addi %add3A_1242, %iota3A : vector<16xi32>
    %get3A_1244 = arith.constant 3 : i32
    %get3A_1245 = arith.index_cast %get3A_1244 : i32 to index
    %get3A_1246 = arith.constant 96 : index
    %get3A_1247 = tpu.vector_load %arg9[%get3A_1245, %get3A_1246] {strides = array<i32>} : memref<5x128xf32, #tpu.memory_space<vmem>>, vector<1x16xf32>,
    %get3A_1248 = vector.shape_cast %get3A_1247 : vector<1x16xf32> to vector<16xf32>
    %ge3A_1249 = vector.broadcast %mul3A_2 : i32 to vector<16xi32>
    %ge3A_1250 = arith.cmpi sge, %add3A_1243, %ge3A_1249 : vector<16xi32>
    %jit3A_1251 = arith.constant 0.000000e+00 : f32
    %broadcast_in_dim3A_1252 = vector.broadcast %jit3A_1251 : f32 to vector<16xf32>
    %select_n3A_1253 = arith.select %ge3A_1250, %get3A_1248, %broadcast_in_dim3A_1252 : vector<16xi1>, vector<16xf32>
    %add3A_1254 = arith.addf %add3A_1237, %select_n3A_1253 : vector<16xf32>
    %add3A_1255 = arith.constant 384 : i32
    %add3A_1256 = arith.addi %min3A_3, %add3A_1255 : i32
    %add3A_1257 = arith.constant 112 : i32
    %add3A_1258 = arith.addi %add3A_1256, %add3A_1257 : i32
    %add3A_1259 = vector.broadcast %add3A_1258 : i32 to vector<16xi32>
    %add3A_1260 = arith.addi %add3A_1259, %iota3A : vector<16xi32>
    %get3A_1261 = arith.constant 3 : i32
    %get3A_1262 = arith.index_cast %get3A_1261 : i32 to index
    %get3A_1263 = arith.constant 112 : index
    %get3A_1264 = tpu.vector_load %arg9[%get3A_1262, %get3A_1263] {strides = array<i32>} : memref<5x128xf32, #tpu.memory_space<vmem>>, vector<1x16xf32>,
    %get3A_1265 = vector.shape_cast %get3A_1264 : vector<1x16xf32> to vector<16xf32>
    %ge3A_1266 = vector.broadcast %mul3A_2 : i32 to vector<16xi32>
    %ge3A_1267 = arith.cmpi sge, %add3A_1260, %ge3A_1266 : vector<16xi32>
    %jit3A_1268 = arith.constant 0.000000e+00 : f32
    %broadcast_in_dim3A_1269 = vector.broadcast %jit3A_1268 : f32 to vector<16xf32>
    %select_n3A_1270 = arith.select %ge3A_1267, %get3A_1265, %broadcast_in_dim3A_1269 : vector<16xi1>, vector<16xf32>
    %add3A_1271 = arith.addf %add3A_1254, %select_n3A_1270 : vector<16xf32>
    %dma_wait3A_1272 = arith.constant 4 : i32
    %dma_wait3A_1273 = arith.constant 4 : i32
    %dma_wait3A_1274 = arith.constant 0 : i32
    %dma_wait3A_1275 = tpu.memref_slice %arg9[%dma_wait3A_1273, %dma_wait3A_1274] : memref<5x128xf32, #tpu.memory_space<vmem>> -> memref<1x128xf32, #tpu.memory_space<vmem>>
    %dma_wait3A_1276 = tpu.memref_squeeze %dma_wait3A_1275 : memref<1x128xf32, #tpu.memory_space<vmem>> -> memref<128xf32, #tpu.memory_space<vmem>>
    %dma_wait3A_1277 = arith.constant 0 : i32
    %dma_wait3A_1278 = tpu.memref_slice %arg8[%dma_wait3A_1272, %dma_wait3A_1277] : memref<5x128xi32, #tpu.memory_space<vmem>> -> memref<1x128xi32, #tpu.memory_space<vmem>>
    %dma_wait3A_1279 = tpu.memref_squeeze %dma_wait3A_1278 : memref<1x128xi32, #tpu.memory_space<vmem>> -> memref<128xi32, #tpu.memory_space<vmem>>
    %dma_wait3A_1280 = arith.constant 0 : i32
    %dma_wait3A_1281 = tpu.memref_slice %arg4[%dma_wait3A_1280] : memref<1048576xf32, #tpu.memory_space<hbm>> -> memref<1048576xf32, #tpu.memory_space<hbm>>
    tpu.wait_indirect_dma semaphore(%arg11 : memref<!tpu.dma_semaphore, #tpu.memory_space<semaphore_mem>>) src(%dma_wait3A_1281 : memref<1048576xf32, #tpu.memory_space<hbm>>) dst(%dma_wait3A_1276 : memref<128xf32, #tpu.memory_space<vmem>>)
    %add3A_1282 = arith.constant 512 : i32
    %add3A_1283 = arith.addi %min3A_3, %add3A_1282 : i32
    %add3A_1284 = arith.constant 0 : i32
    %add3A_1285 = arith.addi %add3A_1283, %add3A_1284 : i32
    %add3A_1286 = vector.broadcast %add3A_1285 : i32 to vector<16xi32>
    %add3A_1287 = arith.addi %add3A_1286, %iota3A : vector<16xi32>
    %get3A_1288 = arith.constant 4 : i32
    %get3A_1289 = arith.index_cast %get3A_1288 : i32 to index
    %get3A_1290 = arith.constant 0 : index
    %get3A_1291 = tpu.vector_load %arg9[%get3A_1289, %get3A_1290] {strides = array<i32>} : memref<5x128xf32, #tpu.memory_space<vmem>>, vector<1x16xf32>,
    %get3A_1292 = vector.shape_cast %get3A_1291 : vector<1x16xf32> to vector<16xf32>
    %ge3A_1293 = vector.broadcast %mul3A_2 : i32 to vector<16xi32>
    %ge3A_1294 = arith.cmpi sge, %add3A_1287, %ge3A_1293 : vector<16xi32>
    %jit3A_1295 = arith.constant 0.000000e+00 : f32
    %broadcast_in_dim3A_1296 = vector.broadcast %jit3A_1295 : f32 to vector<16xf32>
    %select_n3A_1297 = arith.select %ge3A_1294, %get3A_1292, %broadcast_in_dim3A_1296 : vector<16xi1>, vector<16xf32>
    %add3A_1298 = arith.addf %add3A_1271, %select_n3A_1297 : vector<16xf32>
    %add3A_1299 = arith.constant 512 : i32
    %add3A_1300 = arith.addi %min3A_3, %add3A_1299 : i32
    %add3A_1301 = arith.constant 16 : i32
    %add3A_1302 = arith.addi %add3A_1300, %add3A_1301 : i32
    %add3A_1303 = vector.broadcast %add3A_1302 : i32 to vector<16xi32>
    %add3A_1304 = arith.addi %add3A_1303, %iota3A : vector<16xi32>
    %get3A_1305 = arith.constant 4 : i32
    %get3A_1306 = arith.index_cast %get3A_1305 : i32 to index
    %get3A_1307 = arith.constant 16 : index
    %get3A_1308 = tpu.vector_load %arg9[%get3A_1306, %get3A_1307] {strides = array<i32>} : memref<5x128xf32, #tpu.memory_space<vmem>>, vector<1x16xf32>,
    %get3A_1309 = vector.shape_cast %get3A_1308 : vector<1x16xf32> to vector<16xf32>
    %ge3A_1310 = vector.broadcast %mul3A_2 : i32 to vector<16xi32>
    %ge3A_1311 = arith.cmpi sge, %add3A_1304, %ge3A_1310 : vector<16xi32>
    %jit3A_1312 = arith.constant 0.000000e+00 : f32
    %broadcast_in_dim3A_1313 = vector.broadcast %jit3A_1312 : f32 to vector<16xf32>
    %select_n3A_1314 = arith.select %ge3A_1311, %get3A_1309, %broadcast_in_dim3A_1313 : vector<16xi1>, vector<16xf32>
    %add3A_1315 = arith.addf %add3A_1298, %select_n3A_1314 : vector<16xf32>
    %add3A_1316 = arith.constant 512 : i32
    %add3A_1317 = arith.addi %min3A_3, %add3A_1316 : i32
    %add3A_1318 = arith.constant 32 : i32
    %add3A_1319 = arith.addi %add3A_1317, %add3A_1318 : i32
    %add3A_1320 = vector.broadcast %add3A_1319 : i32 to vector<16xi32>
    %add3A_1321 = arith.addi %add3A_1320, %iota3A : vector<16xi32>
    %get3A_1322 = arith.constant 4 : i32
    %get3A_1323 = arith.index_cast %get3A_1322 : i32 to index
    %get3A_1324 = arith.constant 32 : index
    %get3A_1325 = tpu.vector_load %arg9[%get3A_1323, %get3A_1324] {strides = array<i32>} : memref<5x128xf32, #tpu.memory_space<vmem>>, vector<1x16xf32>,
    %get3A_1326 = vector.shape_cast %get3A_1325 : vector<1x16xf32> to vector<16xf32>
    %ge3A_1327 = vector.broadcast %mul3A_2 : i32 to vector<16xi32>
    %ge3A_1328 = arith.cmpi sge, %add3A_1321, %ge3A_1327 : vector<16xi32>
    %jit3A_1329 = arith.constant 0.000000e+00 : f32
    %broadcast_in_dim3A_1330 = vector.broadcast %jit3A_1329 : f32 to vector<16xf32>
    %select_n3A_1331 = arith.select %ge3A_1328, %get3A_1326, %broadcast_in_dim3A_1330 : vector<16xi1>, vector<16xf32>
    %add3A_1332 = arith.addf %add3A_1315, %select_n3A_1331 : vector<16xf32>
    %add3A_1333 = arith.constant 512 : i32
    %add3A_1334 = arith.addi %min3A_3, %add3A_1333 : i32
    %add3A_1335 = arith.constant 48 : i32
    %add3A_1336 = arith.addi %add3A_1334, %add3A_1335 : i32
    %add3A_1337 = vector.broadcast %add3A_1336 : i32 to vector<16xi32>
    %add3A_1338 = arith.addi %add3A_1337, %iota3A : vector<16xi32>
    %get3A_1339 = arith.constant 4 : i32
    %get3A_1340 = arith.index_cast %get3A_1339 : i32 to index
    %get3A_1341 = arith.constant 48 : index
    %get3A_1342 = tpu.vector_load %arg9[%get3A_1340, %get3A_1341] {strides = array<i32>} : memref<5x128xf32, #tpu.memory_space<vmem>>, vector<1x16xf32>,
    %get3A_1343 = vector.shape_cast %get3A_1342 : vector<1x16xf32> to vector<16xf32>
    %ge3A_1344 = vector.broadcast %mul3A_2 : i32 to vector<16xi32>
    %ge3A_1345 = arith.cmpi sge, %add3A_1338, %ge3A_1344 : vector<16xi32>
    %jit3A_1346 = arith.constant 0.000000e+00 : f32
    %broadcast_in_dim3A_1347 = vector.broadcast %jit3A_1346 : f32 to vector<16xf32>
    %select_n3A_1348 = arith.select %ge3A_1345, %get3A_1343, %broadcast_in_dim3A_1347 : vector<16xi1>, vector<16xf32>
    %add3A_1349 = arith.addf %add3A_1332, %select_n3A_1348 : vector<16xf32>
    %add3A_1350 = arith.constant 512 : i32
    %add3A_1351 = arith.addi %min3A_3, %add3A_1350 : i32
    %add3A_1352 = arith.constant 64 : i32
    %add3A_1353 = arith.addi %add3A_1351, %add3A_1352 : i32
    %add3A_1354 = vector.broadcast %add3A_1353 : i32 to vector<16xi32>
    %add3A_1355 = arith.addi %add3A_1354, %iota3A : vector<16xi32>
    %get3A_1356 = arith.constant 4 : i32
    %get3A_1357 = arith.index_cast %get3A_1356 : i32 to index
    %get3A_1358 = arith.constant 64 : index
    %get3A_1359 = tpu.vector_load %arg9[%get3A_1357, %get3A_1358] {strides = array<i32>} : memref<5x128xf32, #tpu.memory_space<vmem>>, vector<1x16xf32>,
    %get3A_1360 = vector.shape_cast %get3A_1359 : vector<1x16xf32> to vector<16xf32>
    %ge3A_1361 = vector.broadcast %mul3A_2 : i32 to vector<16xi32>
    %ge3A_1362 = arith.cmpi sge, %add3A_1355, %ge3A_1361 : vector<16xi32>
    %jit3A_1363 = arith.constant 0.000000e+00 : f32
    %broadcast_in_dim3A_1364 = vector.broadcast %jit3A_1363 : f32 to vector<16xf32>
    %select_n3A_1365 = arith.select %ge3A_1362, %get3A_1360, %broadcast_in_dim3A_1364 : vector<16xi1>, vector<16xf32>
    %add3A_1366 = arith.addf %add3A_1349, %select_n3A_1365 : vector<16xf32>
    %add3A_1367 = arith.constant 512 : i32
    %add3A_1368 = arith.addi %min3A_3, %add3A_1367 : i32
    %add3A_1369 = arith.constant 80 : i32
    %add3A_1370 = arith.addi %add3A_1368, %add3A_1369 : i32
    %add3A_1371 = vector.broadcast %add3A_1370 : i32 to vector<16xi32>
    %add3A_1372 = arith.addi %add3A_1371, %iota3A : vector<16xi32>
    %get3A_1373 = arith.constant 4 : i32
    %get3A_1374 = arith.index_cast %get3A_1373 : i32 to index
    %get3A_1375 = arith.constant 80 : index
    %get3A_1376 = tpu.vector_load %arg9[%get3A_1374, %get3A_1375] {strides = array<i32>} : memref<5x128xf32, #tpu.memory_space<vmem>>, vector<1x16xf32>,
    %get3A_1377 = vector.shape_cast %get3A_1376 : vector<1x16xf32> to vector<16xf32>
    %ge3A_1378 = vector.broadcast %mul3A_2 : i32 to vector<16xi32>
    %ge3A_1379 = arith.cmpi sge, %add3A_1372, %ge3A_1378 : vector<16xi32>
    %jit3A_1380 = arith.constant 0.000000e+00 : f32
    %broadcast_in_dim3A_1381 = vector.broadcast %jit3A_1380 : f32 to vector<16xf32>
    %select_n3A_1382 = arith.select %ge3A_1379, %get3A_1377, %broadcast_in_dim3A_1381 : vector<16xi1>, vector<16xf32>
    %add3A_1383 = arith.addf %add3A_1366, %select_n3A_1382 : vector<16xf32>
    %add3A_1384 = arith.constant 512 : i32
    %add3A_1385 = arith.addi %min3A_3, %add3A_1384 : i32
    %add3A_1386 = arith.constant 96 : i32
    %add3A_1387 = arith.addi %add3A_1385, %add3A_1386 : i32
    %add3A_1388 = vector.broadcast %add3A_1387 : i32 to vector<16xi32>
    %add3A_1389 = arith.addi %add3A_1388, %iota3A : vector<16xi32>
    %get3A_1390 = arith.constant 4 : i32
    %get3A_1391 = arith.index_cast %get3A_1390 : i32 to index
    %get3A_1392 = arith.constant 96 : index
    %get3A_1393 = tpu.vector_load %arg9[%get3A_1391, %get3A_1392] {strides = array<i32>} : memref<5x128xf32, #tpu.memory_space<vmem>>, vector<1x16xf32>,
    %get3A_1394 = vector.shape_cast %get3A_1393 : vector<1x16xf32> to vector<16xf32>
    %ge3A_1395 = vector.broadcast %mul3A_2 : i32 to vector<16xi32>
    %ge3A_1396 = arith.cmpi sge, %add3A_1389, %ge3A_1395 : vector<16xi32>
    %jit3A_1397 = arith.constant 0.000000e+00 : f32
    %broadcast_in_dim3A_1398 = vector.broadcast %jit3A_1397 : f32 to vector<16xf32>
    %select_n3A_1399 = arith.select %ge3A_1396, %get3A_1394, %broadcast_in_dim3A_1398 : vector<16xi1>, vector<16xf32>
    %add3A_1400 = arith.addf %add3A_1383, %select_n3A_1399 : vector<16xf32>
    %add3A_1401 = arith.constant 512 : i32
    %add3A_1402 = arith.addi %min3A_3, %add3A_1401 : i32
    %add3A_1403 = arith.constant 112 : i32
    %add3A_1404 = arith.addi %add3A_1402, %add3A_1403 : i32
    %add3A_1405 = vector.broadcast %add3A_1404 : i32 to vector<16xi32>
    %add3A_1406 = arith.addi %add3A_1405, %iota3A : vector<16xi32>
    %get3A_1407 = arith.constant 4 : i32
    %get3A_1408 = arith.index_cast %get3A_1407 : i32 to index
    %get3A_1409 = arith.constant 112 : index
    %get3A_1410 = tpu.vector_load %arg9[%get3A_1408, %get3A_1409] {strides = array<i32>} : memref<5x128xf32, #tpu.memory_space<vmem>>, vector<1x16xf32>,
    %get3A_1411 = vector.shape_cast %get3A_1410 : vector<1x16xf32> to vector<16xf32>
    %ge3A_1412 = vector.broadcast %mul3A_2 : i32 to vector<16xi32>
    %ge3A_1413 = arith.cmpi sge, %add3A_1406, %ge3A_1412 : vector<16xi32>
    %jit3A_1414 = arith.constant 0.000000e+00 : f32
    %broadcast_in_dim3A_1415 = vector.broadcast %jit3A_1414 : f32 to vector<16xf32>
    %select_n3A_1416 = arith.select %ge3A_1413, %get3A_1411, %broadcast_in_dim3A_1415 : vector<16xi1>, vector<16xf32>
    %add3A_1417 = arith.addf %add3A_1400, %select_n3A_1416 : vector<16xf32>
    %swap3A_1418 = arith.constant 0 : index
    %swap3A_1419 = tpu.vector_load %arg10[%swap3A_1418] {strides = array<i32>} : memref<16xf32, #tpu.memory_space<vmem>>, vector<16xf32>,
    %swap3A_1420 = vector.shape_cast %swap3A_1419 : vector<16xf32> to vector<16xf32>
    %swap3A_1421 = vector.shape_cast %add3A_1417 : vector<16xf32> to vector<16xf32>
    tpu.vector_store %arg10[%swap3A_1418], %swap3A_1421 {strides = array<i32>} : memref<16xf32, #tpu.memory_space<vmem>>, vector<16xf32>,
    "tpu.region"() ({
      %run_scoped3A = tpu.sem_alloc : memref<!tpu.dma_semaphore, #tpu.memory_space<semaphore_mem>>
      %dma_start3A_1422 = arith.constant 0 : i32
      %dma_start3A_1423 = tpu.memref_slice %arg5[%add3A, %dma_start3A_1422] : memref<32x16xf32, #tpu.memory_space<hbm>> -> memref<1x16xf32, #tpu.memory_space<hbm>>
      %dma_start3A_1424 = tpu.memref_squeeze %dma_start3A_1423 : memref<1x16xf32, #tpu.memory_space<hbm>> -> memref<16xf32, #tpu.memory_space<hbm>>
      %dma_start3A_1425 = arith.constant 0 : i32
      %dma_start3A_1426 = tpu.memref_slice %arg5[%add3A, %dma_start3A_1425] : memref<32x16xf32, #tpu.memory_space<hbm>> -> memref<1x16xf32, #tpu.memory_space<hbm>>
      %dma_start3A_1427 = tpu.memref_squeeze %dma_start3A_1426 : memref<1x16xf32, #tpu.memory_space<hbm>> -> memref<16xf32, #tpu.memory_space<hbm>>
      tpu.enqueue_dma source(%arg10 : memref<16xf32, #tpu.memory_space<vmem>>) target(%dma_start3A_1427 : memref<16xf32, #tpu.memory_space<hbm>>) target_semaphore(%run_scoped3A : memref<!tpu.dma_semaphore, #tpu.memory_space<semaphore_mem>>)
      %dma_wait3A_1428 = arith.constant 0 : i32
      %dma_wait3A_1429 = tpu.memref_slice %arg5[%add3A, %dma_wait3A_1428] : memref<32x16xf32, #tpu.memory_space<hbm>> -> memref<1x16xf32, #tpu.memory_space<hbm>>
      %dma_wait3A_1430 = tpu.memref_squeeze %dma_wait3A_1429 : memref<1x16xf32, #tpu.memory_space<hbm>> -> memref<16xf32, #tpu.memory_space<hbm>>
      %dma_wait3A_1431 = arith.constant 0 : i32
      %dma_wait3A_1432 = tpu.memref_slice %arg5[%add3A, %dma_wait3A_1431] : memref<32x16xf32, #tpu.memory_space<hbm>> -> memref<1x16xf32, #tpu.memory_space<hbm>>
      %dma_wait3A_1433 = tpu.memref_squeeze %dma_wait3A_1432 : memref<1x16xf32, #tpu.memory_space<hbm>> -> memref<16xf32, #tpu.memory_space<hbm>>
      tpu.wait_dma2 semaphore(%run_scoped3A : memref<!tpu.dma_semaphore, #tpu.memory_space<semaphore_mem>>) src(%arg10 : memref<16xf32, #tpu.memory_space<vmem>>) dst(%dma_wait3A_1433 : memref<16xf32, #tpu.memory_space<hbm>>)
      tpu.yield
    }) : () -> ()
    return
  }
}

module attributes {stable_mosaic.version = 14 : i64} {
  func.func @_tc_body(%arg0: memref<1000x1024xf32, #tpu.memory_space<vmem>>, %arg1: memref<1000x1024xf32, #tpu.memory_space<vmem>>, %arg2: memref<8192x128xf32, #tpu.memory_space<vmem>>, %arg3: memref<1x1xf32, #tpu.memory_space<smem>>) attributes {dimension_semantics = [], scalar_prefetch = 0 : i64, scratch_operands = 0 : i64, tpu.core_type = #tpu.core_type<tc>} {
    %get3A = arith.constant 0 : index
    %get3A_0 = arith.constant 0 : index
    %get3A_1 = vector.load %arg0[%get3A, %get3A_0] : memref<1000x1024xf32, #tpu.memory_space<vmem>>, vector<1000x1024xf32>
    %get3A_2 = arith.constant 0 : index
    %get3A_3 = arith.constant 0 : index
    %get3A_4 = vector.load %arg1[%get3A_2, %get3A_3] : memref<1000x1024xf32, #tpu.memory_space<vmem>>, vector<1000x1024xf32>
    %logistic3A = arith.negf %get3A_1 : vector<1000x1024xf32>
    %logistic3A_5 = math.exp %logistic3A : vector<1000x1024xf32>
    %logistic3A_6 = arith.constant 1.000000e+00 : f32
    %logistic3A_7 = vector.broadcast %logistic3A_6 : f32 to vector<1000x1024xf32>
    %logistic3A_8 = arith.addf %logistic3A_7, %logistic3A_5 : vector<1000x1024xf32>
    %logistic3A_9 = arith.divf %logistic3A_7, %logistic3A_8 : vector<1000x1024xf32>
    %max3A = arith.constant 0.000000e+00 : f32
    %max3A_10 = vector.broadcast %max3A : f32 to vector<1000x1024xf32>
    %max3A_11 = arith.maximumf %get3A_1, %max3A_10 : vector<1000x1024xf32>
    %mul3A = arith.mulf %get3A_1, %get3A_4 : vector<1000x1024xf32>
    %sub3A = arith.subf %max3A_11, %mul3A : vector<1000x1024xf32>
    %ge3A = arith.constant 0.000000e+00 : f32
    %ge3A_12 = vector.broadcast %ge3A : f32 to vector<1000x1024xf32>
    %ge3A_13 = arith.cmpf oge, %get3A_1, %ge3A_12 : vector<1000x1024xf32>
    %sub3A_14 = arith.constant 1.000000e+00 : f32
    %sub3A_15 = vector.broadcast %sub3A_14 : f32 to vector<1000x1024xf32>
    %sub3A_16 = arith.subf %sub3A_15, %logistic3A_9 : vector<1000x1024xf32>
    %select_n3A = arith.select %ge3A_13, %logistic3A_9, %sub3A_16 : vector<1000x1024xi1>, vector<1000x1024xf32>
    %log3A = math.log %select_n3A : vector<1000x1024xf32>
    %sub3A_17 = arith.subf %sub3A, %log3A : vector<1000x1024xf32>
    %reduce_sum3A = vector.shape_cast %sub3A_17 : vector<1000x1024xf32> to vector<1x1000x1024xf32>
    %reduce_sum3A_18 = arith.constant dense<0.000000e+00> : vector<1xf32>
    %reduce_sum3A_19 = vector.multi_reduction <add>, %reduce_sum3A, %reduce_sum3A_18 [1, 2] : vector<1x1000x1024xf32> to vector<1xf32>
    %reduce_sum3A_20 = vector.shape_cast %reduce_sum3A_19 : vector<1xf32> to vector<1x1x1xf32>
    %reduce_sum3A_21 = vector.extract %reduce_sum3A_20[0, 0, 0] : f32 from vector<1x1x1xf32>
    %swap3A = arith.constant 0 : index
    %swap3A_22 = arith.constant 0 : index
    %swap3A_23 = memref.load %arg3[%swap3A, %swap3A_22] : memref<1x1xf32, #tpu.memory_space<smem>>
    memref.store %reduce_sum3A_21, %arg3[%swap3A, %swap3A_22] : memref<1x1xf32, #tpu.memory_space<smem>>
    %broadcast_in_dim3A = arith.constant 0.000000e+00 : f32
    %broadcast_in_dim3A_24 = vector.broadcast %broadcast_in_dim3A : f32 to vector<24x1024xf32>
    %concatenate3A = tpu.concatenate %logistic3A_9, %broadcast_in_dim3A_24 in 0 : vector<1000x1024xf32>, vector<24x1024xf32> -> vector<1024x1024xf32>
    %reduce_sum3A_25 = arith.constant dense<0.000000e+00> : vector<1024xf32>
    %reduce_sum3A_26 = vector.multi_reduction <add>, %concatenate3A, %reduce_sum3A_25 [1] : vector<1024x1024xf32> to vector<1024xf32>
    %dot_general3A = arith.constant dense<0.000000e+00> : vector<1024x1024xf32>
    %dot_general3A_27 = tpu.matmul %concatenate3A, %concatenate3A, %dot_general3A {dimension_numbers = #tpu.dot_dimension_numbers<[1], [1], [0], [0], [0, 0, 1, 0], [], []>, transpose_lhs_hint = false} : vector<1024x1024xf32>, vector<1024x1024xf32>, vector<1024x1024xf32> -> vector<1024x1024xf32>
    %broadcast_in_dim3A_28 = vector.shape_cast %reduce_sum3A_26 : vector<1024xf32> to vector<1024x1xf32>
    %sub3A_29 = vector.broadcast %broadcast_in_dim3A_28 : vector<1024x1xf32> to vector<1024x1024xf32>
    %sub3A_30 = arith.subf %sub3A_29, %dot_general3A_27 : vector<1024x1024xf32>
    %reshape3A = vector.shape_cast %sub3A_30 : vector<1024x1024xf32> to vector<8192x128xf32>
    %swap3A_31 = arith.constant 0 : index
    %swap3A_32 = arith.constant 0 : index
    %swap3A_33 = vector.load %arg2[%swap3A_31, %swap3A_32] : memref<8192x128xf32, #tpu.memory_space<vmem>>, vector<8192x128xf32>
    tpu.vector_store %arg2[%swap3A_31, %swap3A_32], %reshape3A {strides = array<i32>} : memref<8192x128xf32, #tpu.memory_space<vmem>>, vector<8192x128xf32>,
    return
  }
}

</mosaic_0001>

<sc_bundles>
// kernel: kernel.4.cloned.1.call-start
scs
__scs_entry_jumppad:
0x0: {  	(pc) =	sbr.rel $0x88, $3  }
0x1: {  	(tag) =	ssettag $0x0;
	lr =	simm.s32 $0x1  }
0x2: {  	[smem:$0x3F9D] =	sst lr;
	_ =	strace $0xD0000000  }
0x3: {  	_ = 	snop  }
0x4: {  	_ = 	snop  }
0x5: {  	_ = 	snop  }
0x6: {  	_ = 	snop  }
0x7: {  	_ = 	snop  }
__scs_overlays_trampoline_lowered:
0x8: {  	[smem:$0x3FAC] =	sst s0  }
0x9: {  	[smem:$0x3FAD] =	sst s1  }
0xa: {  	[smem:$0x3FAE] =	sst s2  }
0xb: {  	[smem:$0x3FAF] =	sst s3  }
0xc: {  	[smem:$0x3FB0] =	sst s4  }
0xd: {  	[smem:$0x3FB1] =	sst s5  }
0xe: {  	[smem:$0x3FB2] =	sst s6  }
0xf: {  	[smem:$0x3FB3] =	sst s7  }
0x10: {  	[smem:$0x3FB4] =	sst s8  }
0x11: {  	[smem:$0x3FB5] =	sst s9;
	s0 =	simm.s32 @!p0 $0x0  }
0x12: {  	s1 =	sld [smem:$0x3F9B];
	s0 =	simm.s32 @p0 $0x1  }
0x13: {  	[smem:$0x3FB6] =	sst s0;
	s0 =	simm.s32 @!p1 $0x0  }
0x14: {  	s2 =	sld [smem:$0x3F9A];
	s0 =	simm.s32 @p1 $0x1  }
0x15: {  	[smem:$0x3FB7] =	sst s0;
	s0 =	simm.s32 @!p2 $0x0  }
0x16: {  	s3 =	sld [smem:$0x3FDB];
	s0 =	simm.s32 @p2 $0x1  }
0x17: {  	s4 =	simm.s32 $0x1BF5;
	[smem:$0x3FB9] =	sst s0  }
0x18: {  	s0 =	sld [smem:$0x3F9C];
	_ =	swait.ge [sflag:s4], $0x0  }
0x19: {  	s7 =	sld [smem:$0x3F9D]  }
0x1a: {  	s8 =	sadd.s32 $0xFFFFE003, lr  }
0x1b: {  	s9 =	sadd.s32 $0xFFFFFEF7, lr;
	s5 =	simm.s32 $0xFFFFFFFF;
	p2 =	slt.u32 s8, $0xFFFFF086  }
0x1c: {  	p1 =	slt.u32 s9, $0xF7A;
	s5 =	simm.s32 @!p2 $0x0  }
0x1d: {  	s5 =	simm.s32 @p1 $0x1;
	p0 =	seq.s32 s7, s2  }
0x1e: {  	s7 =	smul.u32 @!p0 $0xF7A, s2;
	p2 =	seq.s32 @!p0 s5, $0x0  }
0x1f: {  	s9 =	smul.u32 $0xF7A, s1;
	s8 =	simm.s32 @!p0 $0x1BF5;
	p2 =	por !p2, p0  }
0x20: {  	[sflag:s8] =	ssyncset.s32 @!p0 $0xFFFFF086;
	s6 =	sadd.s32 @!p0 s3, s7;
	s7 =	simm.s32 @!p0 $0x108  }
0x21: {  	s3 =	sadd.s32 s3, s9;
	s6 =	sadd.s32 @!p0 $0x88, s6;
	s7 =	simm.s32 @p2 $0x1082  }
0x22: {  	[simem:s7], [sflag:s8] =	dma.local @!p0 [hbm:s6], $0xF7A  }
0x23: {  	s9 =	sor.u32 $0xD0000000, s2;
	s6 =	simm.s32 $0x108;
	_ =	swait.ge @!p0 [sflag:s8], $0x0  }
0x24: {  	s3 =	sadd.s32 $0x88, s3;
	s6 =	simm.s32 @!p1 $0x1082;
	[sflag:s4] =	ssyncset.s32 $0xFFFFF086  }
0x25: {  	[simem:s6], [sflag:s4] =	dma.local [hbm:s3], $0xF7A  }
0x26: {  	[smem:$0x3F9D] =	sst s1;
	(tag) =	ssettag s2;
	_ =	strace s9  }
0x27: {  	s1 =	sld [smem:$0x3FAD]  }
0x28: {  	s2 =	sld [smem:$0x3FAE]  }
0x29: {  	s4 =	sld [smem:$0x3FB0]  }
0x2a: {  	p0 =	seq.s32 s5, $0x0;
	s5 =	sld [smem:$0x3FB1]  }
0x2b: {  	s6 =	sld [smem:$0x3FB2]  }
0x2c: {  	s7 =	sld [smem:$0x3FB3]  }
0x2d: {  	s3 =	simm.s32 $0x108;
	s8 =	sld [smem:$0x3FB4]  }
0x2e: {  	s3 =	simm.s32 @!p0 $0x1082;
	s9 =	sld [smem:$0x3FB5]  }
0x2f: {  	lr =	sadd.s32 s0, s3;
	s0 =	sld [smem:$0x3FAC]  }
0x30: {  	s3 =	sld [smem:$0x3FAF]  }
0x31: {  	[smem:$0x3FB8] =	sst s10  }
0x32: {  	s10 =	sld [smem:$0x3FB6];
	_ =	sdelay $0x3  }
0x33: {  	p0 =	seq.s32 s10, $0x1;
	s10 =	sld [smem:$0x3FB8];
	_ =	sdelay $0x3  }
0x34: {  	[smem:$0x3FB8] =	sst s10  }
0x35: {  	s10 =	sld [smem:$0x3FB7];
	_ =	sdelay $0x3  }
0x36: {  	p1 =	seq.s32 s10, $0x1;
	s10 =	sld [smem:$0x3FB8];
	_ =	sdelay $0x3  }
0x37: {  	[smem:$0x3FB8] =	sst s10  }
0x38: {  	s10 =	sld [smem:$0x3FB9]  }
0x39: {  	_ = 	snop;
	(pc) =	sbr.ind lr, $3  }
0x3a: {  	_ = 	snop  }
0x3b: {  	_ = 	snop  }
0x3c: {  	p2 =	seq.s32 s10, $0x1;
	s10 =	sld [smem:$0x3FB8]  }
0x3d: {  	_ =	shalt  }
0x3e: {  	_ =	shalt  }
0x3f: {  	_ =	shalt  }
0x40: {  	_ =	shalt  }
0x41: {  	_ =	shalt  }
0x42: {  	_ =	shalt  }
0x43: {  	_ =	shalt  }
0x44: {  	_ =	shalt  }
0x45: {  	_ =	shalt  }
0x46: {  	_ =	shalt  }
0x47: {  	_ =	shalt  }
0x48: {  	_ =	shalt  }
0x49: {  	_ =	shalt  }
0x4a: {  	_ =	shalt  }
0x4b: {  	_ =	shalt  }
0x4c: {  	_ =	shalt  }
0x4d: {  	_ =	shalt  }
0x4e: {  	_ =	shalt  }
0x4f: {  	_ =	shalt  }
0x50: {  	_ =	shalt  }
0x51: {  	_ =	shalt  }
0x52: {  	_ =	shalt  }
0x53: {  	_ =	shalt  }
0x54: {  	_ =	shalt  }
0x55: {  	_ =	shalt  }
0x56: {  	_ =	shalt  }
0x57: {  	_ =	shalt  }
0x58: {  	_ =	shalt  }
0x59: {  	_ =	shalt  }
0x5a: {  	_ =	shalt  }
0x5b: {  	_ =	shalt  }
0x5c: {  	_ =	shalt  }
0x5d: {  	_ =	shalt  }
0x5e: {  	_ =	shalt  }
0x5f: {  	_ =	shalt  }
0x60: {  	_ =	shalt  }
0x61: {  	_ =	shalt  }
0x62: {  	_ =	shalt  }
0x63: {  	_ =	shalt  }
0x64: {  	_ =	shalt  }
0x65: {  	_ =	shalt  }
0x66: {  	_ =	shalt  }
0x67: {  	_ =	shalt  }
0x68: {  	_ =	shalt  }
0x69: {  	_ =	shalt  }
0x6a: {  	_ =	shalt  }
0x6b: {  	_ =	shalt  }
0x6c: {  	_ =	shalt  }
0x6d: {  	_ =	shalt  }
0x6e: {  	_ =	shalt  }
0x6f: {  	_ =	shalt  }
0x70: {  	_ =	shalt  }
0x71: {  	_ =	shalt  }
0x72: {  	_ =	shalt  }
0x73: {  	_ =	shalt  }
0x74: {  	_ =	shalt  }
0x75: {  	_ =	shalt  }
0x76: {  	_ =	shalt  }
0x77: {  	_ =	shalt  }
0x78: {  	_ =	shalt  }
0x79: {  	_ =	shalt  }
0x7a: {  	_ =	shalt  }
0x7b: {  	_ =	shalt  }
0x7c: {  	_ =	shalt  }
0x7d: {  	_ =	shalt  }
0x7e: {  	_ =	shalt  }
0x7f: {  	_ =	shalt  }
0x80: {  	_ =	shalt  }
0x81: {  	_ =	shalt  }
0x82: {  	_ =	shalt  }
0x83: {  	_ =	shalt  }
0x84: {  	_ =	shalt  }
0x85: {  	_ =	shalt  }
0x86: {  	_ =	shalt  }
0x87: {  	_ =	shalt  }
.Lfunc_end0:
.L_simem_size_0:
called_computation_lowered:
.L_overlay_start_0:
0x88: {  	s2 =	sld [smem:$0x3FD9]  }
0x89: {  	s3 =	sld [smem:$0x3FFE];
	_ =	sdelay $0x1  }
0x8a: {  	s1 =	srdreg.scid  }
0x8b: {  	s0 =	sand.u32 $0x1, s1  }
0x8c: {  	s17 =	sshll.u32 s0, $0xA;
	s2 =	sadd.s32 s3, s2  }
0x8d: {  	s2 =	sadd.s32 s2, s17  }
0x8e: {  	[smem:$0x3FC4] =	sst s2  }
0x8f: {  	_ = 	snop  }
0x90: {  	s2 =	sld [smem:$0x3FC7]  }
0x91: {  	s18 =	sld [smem:$0x3FC6];
	(tm) =	ssettm $0x1  }
0x92: {  	s4 =	sld [smem:$0x3FFB];
	_ =	sdelay $0x3  }
0x93: {  	_ =	strace s4  }
0x94: {  	s4 =	sld [smem:$0x3FFC];
	_ =	sdelay $0x3  }
0x95: {  	_ =	strace s4  }
0x96: {  	s4 =	sld [smem:$0x3FFD];
	_ =	sdelay $0x3  }
0x97: {  	_ =	strace s4  }
0x98: {  	_ =	strace $0x8FFFFFFF  }
0x99: {  	s19 =	sld [smem:$0x3FDB];
	_ =	sdelay $0x1  }
0x9a: {  	s5 =	simm.s32 $_scs_section_size  }
0x9b: {  	s6 =	simm.s32 $_size__tile_overlayer_lowered;
	s7 =	simm.s32 $_tile_overlayer_lowered  }
0x9c: {  	s22 =	simm.s32 $0x1BFF;
	s21 =	sshll.u32 s7, $0x1;
	s4 =	sadd.s32 s5, s19  }
0x9d: {  	s8 =	simm.s32 $0x0;
	s20 =	sshll.u32 s6, $0x1;
	s6 =	sadd.s32 s21, s4  }
0x9e: {  	[timem:s8], [sflag:s22] =	dma.local [hbm:s6], s20  }
0x9f: {  	_ =	swait.ge [sflag:s22], s20  }
0xa0: {  	s5 =	ssub.s32 $0x0, s20;
	[sflag:s22] =	ssyncset.done $0x0  }
0xa1: {  	[sflag:s22] =	ssyncadd.s32 s5;
	_ =	sdelay $0x1  }
0xa2: {  	s23 =	simm.s32 $0x1B8B  }
0xa3: {  	_ =	swait.ge [sflag:s23], $0x1  }
0xa4: {  	[sflag:s23] =	ssyncset.done $0x0  }
0xa5: {  	s25 =	simm.s32 $0x1B8E;
	s24 =	sld [smem:$0x3FFE];
	[sflag:s23] =	ssyncadd.s32 $0xFFFFFFFF  }
0xa6: {  	s26 =	simm.s32 $execute0_lowered;
	[smem:$0x3FD2] =	sst s25  }
0xa7: {  	s6 =	sshll.u32 s26, $0x1;
	_ =	strace $0x80000046;
	[dreg:$0x1] =	wrdreg $0xFFFFFFFF  }
0xa8: {  	s28 =	simm.s32 $_size_execute0_lowered;
	s4 =	sadd.s32 s4, s6;
	[dreg:$0x0] =	wrdreg $0x0  }
0xa9: {  	s6 =	sshll.u32 s28, $0x1;
	[dreg:$0x2] =	wrdreg s4  }
0xaa: {  	[dreg:$0x3] =	wrdreg s6  }
0xab: {  	[dreg:$0x4] =	wrdreg $0xC0  }
0xac: {  	_ =	task [dreg:s8], $0x5FFFF  }
0xad: {  	[dreg:$0x1] =	wrdreg $0xFFFFFFFF  }
0xae: {  	[dreg:$0x0] =	wrdreg $0x60  }
0xaf: {  	[dreg:$0x2] =	wrdreg s2  }
0xb0: {  	[dreg:$0x3] =	wrdreg s18  }
0xb1: {  	[dreg:$0x4] =	wrdreg s24  }
0xb2: {  	[dreg:$0x5] =	wrdreg $0x9  }
0xb3: {  	_ =	task.clear_ibuf [dreg:s8], $0x6FFFF;
	_ =	strace $0x90000046  }
0xb4: {  	s29 =	simm.s32 $0x9;
	_ =	strace $0x80000048  }
0xb5: {  	_ =	swait.ge [sflag:s29], $0x1  }
0xb6: {  	[sflag:s29] =	ssyncadd.s32 $0xFFFFFFFF  }
0xb7: {  	_ =	strace $0x90000048  }
0xb8: {  	_ =	sfence  }
0xb9: {  	s30 =	sld [smem:$0x0];
	_ =	sdelay $0x2  }
0xba: {  	s31 =	sshll.u32 s1, $0xD;
	s1 =	sshrl.u32 s1, $0x2  }
0xbb: {  	s3 =	sand.u32 $0x4000, s31;
	s1 =	sadd.s32 s1, s30  }
0xbc: {  	s0 =	sor.u32 s3, s0;
	s1 =	sshll.u32 s1, $0x11  }
0xbd: {  	s0 =	sor.u32 s1, s0  }
0xbe: {  	s0 =	sadd.s32 $0x8F2B, s0  }
0xbf: {  	[sflag:s0] =	ssyncadd.remote.s32 $0x1  }
0xc0: {  	_ =	sfence.sel $0xFFFF  }
0xc1: {  	[dreg:$0x0] =	wrdreg $0xFFFFFFFF;
	(pc) =	sbr.abs _section_cstart, $3  }
0xc2: {  	[dreg:$0x1] =	wrdreg $0xFFFFFFFF  }
0xc3: {  	_ =	task.clear_ibuf [dreg:s8], $0x2FFFF;
	_ =	strace $0x9FFFFFFF  }
0xc4: {  	(tm) =	ssettm $0x7FFFFFFF  }
0xc5: {  	_ =	shalt  }
tec
execute0_lowered:
.L_overlay_start_1:
0x0: {  	(tag) =	ssettag $0x1  }
0x1: {  	s1 =	srdreg.scid;
	s0 =	stileid.u32  }
0x2: {  	s8 =	sand.u32 $0x1, s1;
	s15 =	sshll.u32 s0, $0x1  }
0x3: {  	s6 =	sor.u32 s8, s15  }
0x4: {  	s1 =	smul.u32 $0x280, s6;
	_ =	sdelay $0x1  }
0x5: {  	v9 =	vlaneseq.u32;
	v62 =	vimm.s32 $0x0;
	s7 =	smin.u32 s1, $0x4BA0  }
0x6: {  	v63 =	vimm.s32 $0x0;
	v1 =	vmov s1;
	v0 =	vor.u32 s7, v9;
	s2 =	sor.u32 $0x10, s7;
	s3 =	sadd.s32 $0x20, s7;
	s16 =	sadd.s32 $0x30, s7  }
0x7: {  	s17 =	sor.u32 $0x40, s7;
	s18 =	sor.u32 $0x50, s7;
	s19 =	sadd.s32 $0x60, s7;
	v2 =	vor.u32 s2, v9;
	v3 =	vor.u32 s3, v9;
	v4 =	vor.u32 s16, v9  }
0x8: {  	s20 =	sadd.s32 $0x70, s7;
	s21 =	sadd.s32 $0x80, s7;
	s22 =	sadd.s32 $0x90, s7;
	v5 =	vor.u32 s17, v9;
	v6 =	vor.u32 s18, v9;
	v7 =	vor.u32 s19, v9  }
0x9: {  	s23 =	sadd.s32 $0xA0, s7;
	s24 =	sadd.s32 $0xB0, s7;
	s25 =	sadd.s32 $0xC0, s7;
	v8 =	vor.u32 s20, v9;
	v10 =	vor.u32 s21, v9;
	v11 =	vor.u32 s22, v9  }
0xa: {  	s26 =	sadd.s32 $0xD0, s7;
	s28 =	sadd.s32 $0xE0, s7;
	s29 =	sadd.s32 $0xF0, s7;
	v12 =	vor.u32 s23, v9;
	v13 =	vor.u32 s24, v9;
	v14 =	vor.u32 s25, v9  }
0xb: {  	s30 =	sadd.s32 $0x100, s7;
	s31 =	sadd.s32 $0x110, s7;
	s9 =	sadd.s32 $0x120, s7;
	v15 =	vor.u32 s26, v9;
	v16 =	vor.u32 s28, v9;
	v17 =	vor.u32 s29, v9  }
0xc: {  	s10 =	sadd.s32 $0x130, s7;
	s11 =	sadd.s32 $0x140, s7;
	s12 =	sadd.s32 $0x150, s7;
	v18 =	vor.u32 s30, v9;
	v19 =	vor.u32 s31, v9;
	v20 =	vor.u32 s9, v9  }
0xd: {  	s13 =	sadd.s32 $0x160, s7;
	s14 =	sadd.s32 $0x170, s7;
	s15 =	sadd.s32 $0x180, s7;
	v21 =	vor.u32 s10, v9;
	v22 =	vor.u32 s11, v9;
	v23 =	vor.u32 s12, v9  }
0xe: {  	v24 =	vor.u32 s13, v9;
	v25 =	vor.u32 s14, v9;
	s16 =	sadd.s32 $0x190, s7;
	s17 =	sadd.s32 $0x1A0, s7;
	v26 =	vor.u32 s15, v9;
	s18 =	sadd.s32 $0x1B0, s7  }
0xf: {  	s19 =	sadd.s32 $0x1C0, s7;
	s20 =	sadd.s32 $0x1D0, s7;
	s21 =	sadd.s32 $0x1E0, s7;
	v27 =	vor.u32 s16, v9;
	v28 =	vor.u32 s17, v9;
	v29 =	vor.u32 s18, v9  }
0x10: {  	s22 =	sadd.s32 $0x1F0, s7;
	s23 =	sadd.s32 $0x200, s7;
	s24 =	sadd.s32 $0x210, s7;
	v30 =	vor.u32 s19, v9;
	v31 =	vor.u32 s20, v9;
	v32 =	vor.u32 s21, v9  }
0x11: {  	s25 =	sadd.s32 $0x220, s7;
	s26 =	sadd.s32 $0x230, s7;
	s30 =	sadd.s32 $0x270, s7;
	v33 =	vor.u32 s22, v9;
	v34 =	vor.u32 s23, v9;
	v35 =	vor.u32 s24, v9  }
0x12: {  	s28 =	sadd.s32 $0x240, s7;
	s29 =	sadd.s32 $0x260, s7;
	v36 =	vor.u32 s25, v9;
	v37 =	vor.u32 s26, v9;
	v40 =	vor.u32 s30, v9  }
0x13: {  	s10 =	sadd.s32 $0x250, s7;
	v38 =	vor.u32 s28, v9;
	v39 =	vor.u32 s29, v9;
	vm0 =	vlt.u32 v40, v1  }
0x14: {  	v9 =	vor.u32 s10, v9;
	v40 =	vsel vm0, $0xFFFFFFFF, v62;
	vm0 =	vlt.u32 v39, v1  }
0x15: {  	v39 =	vsel vm0, $0xFFFFFFFF, v63;
	vm0 =	vlt.u32 v9, v1;
	v9 =	vimm.s32 $0x0  }
0x16: {  	v9 =	vsel vm0, $0xFFFFFFFF, v9  }
0x17: {  	vm0 =	vlt.u32 v38, v1;
	[tilespmem:$0x1FF00] =	vst v9;
	v9 =	vimm.s32 $0x0  }
0x18: {  	v9 =	vsel vm0, $0xFFFFFFFF, v9  }
0x19: {  	s4 =	rddreg [dreg:$0x0];
	vm0 =	vlt.u32 v37, v1;
	[tilespmem:$0x1FF10] =	vst v9;
	v9 =	vimm.s32 $0x0  }
0x1a: {  	s5 =	rddreg [dreg:$0x1];
	[tilespmem:$0x1FEE0] =	vst v40;
	v9 =	vsel vm0, $0xFFFFFFFF, v9  }
0x1b: {  	s1 =	rddreg [dreg:$0x3];
	s2 =	simm.s32 $0x0;
	vm0 =	vlt.u32 v36, v1;
	[tilespmem:$0x1FF20] =	vst v9;
	v9 =	vimm.s32 $0x0  }
0x1c: {  	[smem:$0x7FF] =	sst s2;
	[tilespmem:$0x1FEF0] =	vst v39;
	v9 =	vsel vm0, $0xFFFFFFFF, v9  }
0x1d: {  	s9 =	rddreg [dreg:$0x2];
	_ =	strace $0x80000047;
	vm0 =	vlt.u32 v35, v1;
	[tilespmem:$0x1FF30] =	vst v9;
	v9 =	vimm.s32 $0x0  }
0x1e: {  	v9 =	vsel vm0, $0xFFFFFFFF, v9  }
0x1f: {  	vm0 =	vlt.u32 v34, v1;
	[tilespmem:$0x1FF40] =	vst v9;
	v9 =	vimm.s32 $0x0  }
0x20: {  	v9 =	vsel vm0, $0xFFFFFFFF, v9  }
0x21: {  	vm0 =	vlt.u32 v33, v1;
	[tilespmem:$0x1FF50] =	vst v9;
	v9 =	vimm.s32 $0x0  }
0x22: {  	v9 =	vsel vm0, $0xFFFFFFFF, v9  }
0x23: {  	vm0 =	vlt.u32 v32, v1;
	[tilespmem:$0x1FF60] =	vst v9;
	v9 =	vimm.s32 $0x0  }
0x24: {  	v9 =	vsel vm0, $0xFFFFFFFF, v9  }
0x25: {  	vm0 =	vlt.u32 v31, v1;
	[tilespmem:$0x1FF70] =	vst v9;
	v9 =	vimm.s32 $0x0  }
0x26: {  	v9 =	vsel vm0, $0xFFFFFFFF, v9  }
0x27: {  	vm0 =	vlt.u32 v30, v1;
	[tilespmem:$0x1FF80] =	vst v9;
	v9 =	vimm.s32 $0x0  }
0x28: {  	v9 =	vsel vm0, $0xFFFFFFFF, v9  }
0x29: {  	vm0 =	vlt.u32 v29, v1;
	[tilespmem:$0x1FF90] =	vst v9;
	v9 =	vimm.s32 $0x0  }
0x2a: {  	v9 =	vsel vm0, $0xFFFFFFFF, v9  }
0x2b: {  	vm0 =	vlt.u32 v28, v1;
	[tilespmem:$0x1FFA0] =	vst v9;
	v9 =	vimm.s32 $0x0  }
0x2c: {  	v9 =	vsel vm0, $0xFFFFFFFF, v9  }
0x2d: {  	s8 =	ssub.s32 $0x2, s8;
	s6 =	sshll.u32 s6, $0x4;
	vm0 =	vlt.u32 v27, v1;
	[tilespmem:$0x1FFB0] =	vst v9;
	v9 =	vimm.s32 $0x0  }
0x2e: {  	s31 =	sshrl.u32 s8, $0x1;
	s7 =	sshrl.u32 s7, $0x3;
	s11 =	simm.s32 $0x500;
	vm2 =	vlt.u32 v23, v1;
	vm3 =	vlt.u32 v22, v1;
	v9 =	vsel vm0, $0xFFFFFFFF, v9  }
0x2f: {  	s12 =	simm.s32 $0x900;
	s13 =	simm.s32 $0x580;
	s14 =	simm.s32 $0x980;
	vm4 =	vlt.u32 v21, v1;
	vm0 =	vlt.u32 v26, v1;
	[tilespmem:$0x1FFC0] =	vst v9;
	v9 =	vimm.s32 $0x0  }
0x30: {  	s15 =	simm.s32 $0x600;
	s3 =	sadd.s32 $0x800, s9;
	s6 =	sadd.s32 s6, s9;
	vm5 =	vlt.u32 v20, v1;
	vm6 =	vlt.u32 v19, v1;
	v9 =	vsel vm0, $0xFFFFFFFF, v9  }
0x31: {  	s8 =	ssub.s32 s8, s31;
	s4 =	sadd.s32 s4, s7;
	s5 =	sadd.s32 s5, s7;
	vm7 =	vlt.u32 v18, v1;
	vm0 =	vlt.u32 v25, v1;
	[tilespmem:$0x1FFD0] =	vst v9;
	v9 =	vimm.s32 $0x0  }
0x32: {  	s9 =	simm.s32 $0x280;
	s10 =	simm.s32 $0x80;
	s16 =	simm.s32 $0xA00;
	vm8 =	vlt.u32 v17, v1;
	vm9 =	vlt.u32 v16, v1;
	v9 =	vsel vm0, $0xFFFFFFFF, v9  }
0x33: {  	s17 =	simm.s32 $0x680;
	s18 =	simm.s32 $0xA80;
	s19 =	simm.s32 $0x700;
	vm10 =	vlt.u32 v15, v1;
	vm0 =	vlt.u32 v24, v1;
	[tilespmem:$0x1FFE0] =	vst v9;
	v9 =	vimm.s32 $0x0  }
0x34: {  	vm11 =	vlt.u32 v14, v1;
	vm12 =	vlt.u32 v13, v1;
	s20 =	simm.s32 $0xB00;
	s21 =	simm.s32 $0x1;
	s22 =	simm.s32 $0xD00;
	v9 =	vsel vm0, $0xFFFFFFFF, v9  }
0x35: {  	vm13 =	vlt.u32 v12, v1;
	vm14 =	vlt.u32 v11, v1;
	vm15 =	vlt.u32 v10, v1;
	s6 =	sadd.s32 $0x20800, s6;
	s7 =	smax.u32 s8, $0x1;
	s8 =	simm.s32 $0x2;
	[tilespmem:$0x1FFF0] =	vst v9  }
.LBB2_1:
0x36: {  	[tilespmem:s2], [sflag:$0x2] =	stream.linear.gather [hbm4b:s4+s2], $0x280, $0x38;
	[tilespmem:$0xD80] =	vst v63  }
0x37: {  	_ =	swait.ge [sflag:s8], $0x280  }
0x38: {  	[sflag:s8] =	ssyncset.done $0x0  }
0x39: {  	[sflag:s8] =	ssyncadd.s32 $0xFFFFFD80  }
0x3a: {  	[tilespmem:s9], [sflag:$0x2] =	stream.linear.gather [hbm4b:s5+s2], $0x280, $0x38;
	[tilespmem:$0xD80] =	vst v63  }
0x3b: {  	_ =	swait.ge [sflag:s8], $0x280  }
0x3c: {  	[sflag:s8] =	ssyncset.done $0x0  }
0x3d: {  	[sflag:s8] =	ssyncadd.s32 $0xFFFFFD80  }
0x3e: {  	v9 =	vld [tilespmem:$0x0]  }
0x3f: {  	v10 =	vld [tilespmem:$0x280]  }
0x40: {  	v11 =	vld [tilespmem:$0x10]  }
0x41: {  	v12 =	vld [tilespmem:$0x290]  }
0x42: {  	v13 =	vld [tilespmem:$0x20]  }
0x43: {  	v14 =	vld [tilespmem:$0x2A0]  }
0x44: {  	v15 =	vld [tilespmem:$0x30]  }
0x45: {  	v16 =	vld [tilespmem:$0x2B0]  }
0x46: {  	v17 =	vld [tilespmem:$0x40]  }
0x47: {  	v18 =	vld [tilespmem:$0x2C0]  }
0x48: {  	v19 =	vld [tilespmem:$0x50]  }
0x49: {  	v20 =	vld [tilespmem:$0x2D0]  }
0x4a: {  	v21 =	vld [tilespmem:$0x60];
	v9 =	vshll.u32 v9, $0xA  }
0x4b: {  	v22 =	vld [tilespmem:$0x70];
	v9 =	vadd.s32 v10, v9;
	v10 =	vshll.u32 v11, $0xA  }
0x4c: {  	v11 =	vld [tilespmem:$0x2E0];
	[tilespmem:$0x500] =	vst v9;
	v9 =	vadd.s32 v12, v10;
	v10 =	vshll.u32 v13, $0xA  }
0x4d: {  	v23 =	vld [tilespmem:$0x2F0];
	[tilespmem:$0x510] =	vst v9;
	v9 =	vadd.s32 v14, v10;
	v10 =	vshll.u32 v15, $0xA  }
0x4e: {  	[tilespmem:$0x520] =	vst v9;
	v9 =	vadd.s32 v16, v10;
	v10 =	vshll.u32 v17, $0xA  }
0x4f: {  	[tilespmem:$0x530] =	vst v9;
	v9 =	vadd.s32 v18, v10;
	v10 =	vshll.u32 v19, $0xA  }
0x50: {  	[tilespmem:$0x540] =	vst v9;
	v9 =	vadd.s32 v20, v10;
	v10 =	vshll.u32 v21, $0xA  }
0x51: {  	[tilespmem:$0x550] =	vst v9;
	v9 =	vadd.s32 v11, v10;
	v10 =	vshll.u32 v22, $0xA  }
0x52: {  	[tilespmem:$0x560] =	vst v9;
	v9 =	vadd.s32 v23, v10  }
0x53: {  	[tilespmem:$0x570] =	vst v9  }
0x54: {  	[tilespmem:s12], [sflag:$0x1] =	stream.indirect.gather [hbm4b:s3+s10], $0x1, s11, s10, $0xb8;
	[tilespmem:$0xD80] =	vst v63  }
0x55: {  	v9 =	vld [tilespmem:$0x80]  }
0x56: {  	v10 =	vld [tilespmem:$0x300]  }
0x57: {  	v11 =	vld [tilespmem:$0x90]  }
0x58: {  	v24 =	vld [tilespmem:$0x310]  }
0x59: {  	v25 =	vld [tilespmem:$0xA0]  }
0x5a: {  	v26 =	vld [tilespmem:$0x320]  }
0x5b: {  	v27 =	vld [tilespmem:$0xB0]  }
0x5c: {  	v28 =	vld [tilespmem:$0x330]  }
0x5d: {  	v29 =	vld [tilespmem:$0xC0]  }
0x5e: {  	v30 =	vld [tilespmem:$0x340]  }
0x5f: {  	v31 =	vld [tilespmem:$0xD0]  }
0x60: {  	v32 =	vld [tilespmem:$0x350]  }
0x61: {  	v33 =	vld [tilespmem:$0xE0];
	v9 =	vshll.u32 v9, $0xA  }
0x62: {  	v34 =	vld [tilespmem:$0xF0];
	v9 =	vadd.s32 v10, v9;
	v10 =	vshll.u32 v11, $0xA  }
0x63: {  	v11 =	vld [tilespmem:$0x360];
	[tilespmem:$0x580] =	vst v9;
	v9 =	vadd.s32 v24, v10;
	v10 =	vshll.u32 v25, $0xA  }
0x64: {  	v35 =	vld [tilespmem:$0x370];
	[tilespmem:$0x590] =	vst v9;
	v9 =	vadd.s32 v26, v10;
	v10 =	vshll.u32 v27, $0xA  }
0x65: {  	[tilespmem:$0x5A0] =	vst v9;
	v9 =	vadd.s32 v28, v10;
	v10 =	vshll.u32 v29, $0xA  }
0x66: {  	[tilespmem:$0x5B0] =	vst v9;
	v9 =	vadd.s32 v30, v10;
	v10 =	vshll.u32 v31, $0xA  }
0x67: {  	[tilespmem:$0x5C0] =	vst v9;
	v9 =	vadd.s32 v32, v10;
	v10 =	vshll.u32 v33, $0xA  }
0x68: {  	[tilespmem:$0x5D0] =	vst v9;
	v9 =	vadd.s32 v11, v10;
	v10 =	vshll.u32 v34, $0xA  }
0x69: {  	[tilespmem:$0x5E0] =	vst v9;
	v9 =	vadd.s32 v35, v10  }
0x6a: {  	[tilespmem:$0x5F0] =	vst v9  }
0x6b: {  	[tilespmem:s14], [sflag:$0x1] =	stream.indirect.gather [hbm4b:s3+s10], $0x1, s13, s10, $0xb8;
	[tilespmem:$0xD80] =	vst v63  }
0x6c: {  	v9 =	vld [tilespmem:$0x100]  }
0x6d: {  	v10 =	vld [tilespmem:$0x380]  }
0x6e: {  	v11 =	vld [tilespmem:$0x110]  }
0x6f: {  	v36 =	vld [tilespmem:$0x390]  }
0x70: {  	v37 =	vld [tilespmem:$0x120]  }
0x71: {  	v38 =	vld [tilespmem:$0x3A0]  }
0x72: {  	v39 =	vld [tilespmem:$0x130]  }
0x73: {  	v40 =	vld [tilespmem:$0x3B0]  }
0x74: {  	v41 =	vld [tilespmem:$0x140]  }
0x75: {  	v42 =	vld [tilespmem:$0x3C0]  }
0x76: {  	v43 =	vld [tilespmem:$0x150]  }
0x77: {  	v44 =	vld [tilespmem:$0x3D0]  }
0x78: {  	v45 =	vld [tilespmem:$0x160];
	v9 =	vshll.u32 v9, $0xA  }
0x79: {  	v46 =	vld [tilespmem:$0x170];
	v9 =	vadd.s32 v10, v9;
	v10 =	vshll.u32 v11, $0xA  }
0x7a: {  	v11 =	vld [tilespmem:$0x3E0];
	[tilespmem:$0x600] =	vst v9;
	v9 =	vadd.s32 v36, v10;
	v10 =	vshll.u32 v37, $0xA  }
0x7b: {  	v47 =	vld [tilespmem:$0x3F0];
	[tilespmem:$0x610] =	vst v9;
	v9 =	vadd.s32 v38, v10;
	v10 =	vshll.u32 v39, $0xA  }
0x7c: {  	[tilespmem:$0x620] =	vst v9;
	v9 =	vadd.s32 v40, v10;
	v10 =	vshll.u32 v41, $0xA  }
0x7d: {  	[tilespmem:$0x630] =	vst v9;
	v9 =	vadd.s32 v42, v10;
	v10 =	vshll.u32 v43, $0xA  }
0x7e: {  	[tilespmem:$0x640] =	vst v9;
	v9 =	vadd.s32 v44, v10;
	v10 =	vshll.u32 v45, $0xA  }
0x7f: {  	[tilespmem:$0x650] =	vst v9;
	v9 =	vadd.s32 v11, v10;
	v10 =	vshll.u32 v46, $0xA  }
0x80: {  	[tilespmem:$0x660] =	vst v9;
	v9 =	vadd.s32 v47, v10  }
0x81: {  	[tilespmem:$0x670] =	vst v9  }
0x82: {  	[tilespmem:s16], [sflag:$0x1] =	stream.indirect.gather [hbm4b:s3+s10], $0x1, s15, s10, $0xb8;
	[tilespmem:$0xD80] =	vst v63  }
0x83: {  	v9 =	vld [tilespmem:$0x180]  }
0x84: {  	v10 =	vld [tilespmem:$0x400]  }
0x85: {  	v11 =	vld [tilespmem:$0x190]  }
0x86: {  	v48 =	vld [tilespmem:$0x410]  }
0x87: {  	v49 =	vld [tilespmem:$0x1A0]  }
0x88: {  	v50 =	vld [tilespmem:$0x420]  }
0x89: {  	v51 =	vld [tilespmem:$0x1B0]  }
0x8a: {  	v52 =	vld [tilespmem:$0x430]  }
0x8b: {  	v53 =	vld [tilespmem:$0x1C0]  }
0x8c: {  	v54 =	vld [tilespmem:$0x440]  }
0x8d: {  	v55 =	vld [tilespmem:$0x1D0]  }
0x8e: {  	v56 =	vld [tilespmem:$0x450]  }
0x8f: {  	v57 =	vld [tilespmem:$0x1E0];
	v9 =	vshll.u32 v9, $0xA  }
0x90: {  	v58 =	vld [tilespmem:$0x1F0];
	v9 =	vadd.s32 v10, v9;
	v10 =	vshll.u32 v11, $0xA  }
0x91: {  	v11 =	vld [tilespmem:$0x460];
	[tilespmem:$0x680] =	vst v9;
	v9 =	vadd.s32 v48, v10;
	v10 =	vshll.u32 v49, $0xA  }
0x92: {  	v59 =	vld [tilespmem:$0x470];
	[tilespmem:$0x690] =	vst v9;
	v9 =	vadd.s32 v50, v10;
	v10 =	vshll.u32 v51, $0xA  }
0x93: {  	[tilespmem:$0x6A0] =	vst v9;
	v9 =	vadd.s32 v52, v10;
	v10 =	vshll.u32 v53, $0xA  }
0x94: {  	[tilespmem:$0x6B0] =	vst v9;
	v9 =	vadd.s32 v54, v10;
	v10 =	vshll.u32 v55, $0xA  }
0x95: {  	[tilespmem:$0x6C0] =	vst v9;
	v9 =	vadd.s32 v56, v10;
	v10 =	vshll.u32 v57, $0xA  }
0x96: {  	[tilespmem:$0x6D0] =	vst v9;
	v9 =	vadd.s32 v11, v10;
	v10 =	vshll.u32 v58, $0xA  }
0x97: {  	[tilespmem:$0x6E0] =	vst v9;
	v9 =	vadd.s32 v59, v10  }
0x98: {  	[tilespmem:$0x6F0] =	vst v9  }
0x99: {  	[tilespmem:s18], [sflag:$0x1] =	stream.indirect.gather [hbm4b:s3+s10], $0x1, s17, s10, $0xb8;
	[tilespmem:$0xD80] =	vst v63  }
0x9a: {  	v9 =	vld [tilespmem:$0x200]  }
0x9b: {  	v10 =	vld [tilespmem:$0x480]  }
0x9c: {  	v11 =	vld [tilespmem:$0x210]  }
0x9d: {  	v60 =	vld [tilespmem:$0x490]  }
0x9e: {  	v61 =	vld [tilespmem:$0x220]  }
0x9f: {  	v62 =	vld [tilespmem:$0x4A0]  }
0xa0: {  	v63 =	vld [tilespmem:$0x230]  }
0xa1: {  	v24 =	vld [tilespmem:$0x4B0]  }
0xa2: {  	v25 =	vld [tilespmem:$0x240]  }
0xa3: {  	v26 =	vld [tilespmem:$0x4C0]  }
0xa4: {  	v27 =	vld [tilespmem:$0x250]  }
0xa5: {  	v28 =	vld [tilespmem:$0x4D0]  }
0xa6: {  	v29 =	vld [tilespmem:$0x260];
	v9 =	vshll.u32 v9, $0xA  }
0xa7: {  	v30 =	vld [tilespmem:$0x270];
	v9 =	vadd.s32 v10, v9;
	v10 =	vshll.u32 v11, $0xA  }
0xa8: {  	v11 =	vld [tilespmem:$0x4E0];
	[tilespmem:$0x700] =	vst v9;
	v9 =	vadd.s32 v60, v10;
	v10 =	vshll.u32 v61, $0xA  }
0xa9: {  	v31 =	vld [tilespmem:$0x4F0];
	[tilespmem:$0x710] =	vst v9;
	v9 =	vadd.s32 v62, v10;
	v10 =	vshll.u32 v63, $0xA  }
0xaa: {  	[tilespmem:$0x720] =	vst v9;
	v9 =	vadd.s32 v24, v10;
	v10 =	vshll.u32 v25, $0xA  }
0xab: {  	[tilespmem:$0x730] =	vst v9;
	v9 =	vadd.s32 v26, v10;
	v10 =	vshll.u32 v27, $0xA  }
0xac: {  	[tilespmem:$0x740] =	vst v9;
	v9 =	vadd.s32 v28, v10;
	v10 =	vshll.u32 v29, $0xA  }
0xad: {  	[tilespmem:$0x750] =	vst v9;
	v9 =	vadd.s32 v11, v10;
	v10 =	vshll.u32 v30, $0xA  }
0xae: {  	[tilespmem:$0x760] =	vst v9;
	v9 =	vadd.s32 v31, v10  }
0xaf: {  	[tilespmem:$0x770] =	vst v9  }
0xb0: {  	[tilespmem:s20], [sflag:$0x1] =	stream.indirect.gather [hbm4b:s3+s10], $0x1, s19, s10, $0xb8;
	[tilespmem:$0xD80] =	vst v63  }
0xb1: {  	_ =	swait.ge [sflag:s21], $0x80  }
0xb2: {  	[sflag:s21] =	ssyncset.done $0x0  }
0xb3: {  	[sflag:s21] =	ssyncadd.s32 $0xFFFFFF80  }
0xb4: {  	v9 =	vld [tilespmem:$0x900];
	_ =	sdelay $0x1  }
0xb5: {  	v10 =	vld [tilespmem:$0x910];
	_ =	sdelay $0x1  }
0xb6: {  	v11 =	vld [tilespmem:$0x920]  }
0xb7: {  	v9 =	vadd.f32 $0.0e+00, v9  }
0xb8: {  	vm0 =	vlt.u32 v2, v1;
	vm1 =	vlt.u32 v0, v1;
	v32 =	vld [tilespmem:$0x930]  }
0xb9: {  	v10 =	vsel vm0, $0x0, v10;
	v9 =	vsel vm1, $0x0, v9  }
0xba: {  	vm0 =	vlt.u32 v3, v1;
	v9 =	vadd.f32 v10, v9;
	v10 =	vld [tilespmem:$0x940]  }
0xbb: {  	v11 =	vsel vm0, $0x0, v11  }
0xbc: {  	vm0 =	vlt.u32 v4, v1;
	v9 =	vadd.f32 v11, v9;
	v11 =	vld [tilespmem:$0x950]  }
0xbd: {  	v12 =	vsel vm0, $0x0, v32  }
0xbe: {  	v33 =	vld [tilespmem:$0x960];
	vm0 =	vlt.u32 v5, v1;
	v9 =	vadd.f32 v12, v9  }
0xbf: {  	v34 =	vld [tilespmem:$0x970];
	_ =	swait.ge [sflag:s21], $0x80;
	v10 =	vsel vm0, $0x0, v10  }
0xc0: {  	[sflag:s21] =	ssyncset.done $0x0;
	vm0 =	vlt.u32 v6, v1;
	v9 =	vadd.f32 v10, v9  }
0xc1: {  	[sflag:s21] =	ssyncadd.s32 $0xFFFFFF80;
	v10 =	vsel vm0, $0x0, v11  }
0xc2: {  	vm0 =	vlt.u32 v7, v1;
	v9 =	vadd.f32 v10, v9;
	v10 =	vld [tilespmem:$0x980]  }
0xc3: {  	v11 =	vsel vm0, $0x0, v33  }
0xc4: {  	vm0 =	vlt.u32 v8, v1;
	v9 =	vadd.f32 v11, v9;
	v11 =	vld [tilespmem:$0x990]  }
0xc5: {  	v12 =	vsel vm0, $0x0, v34  }
0xc6: {  	v35 =	vld [tilespmem:$0x9A0];
	v9 =	vadd.f32 v12, v9  }
0xc7: {  	v10 =	vsel vm15, $0x0, v10  }
0xc8: {  	v9 =	vadd.f32 v10, v9;
	v10 =	vld [tilespmem:$0x9B0]  }
0xc9: {  	v11 =	vsel vm14, $0x0, v11  }
0xca: {  	v9 =	vadd.f32 v11, v9;
	v11 =	vld [tilespmem:$0x9C0]  }
0xcb: {  	v12 =	vsel vm13, $0x0, v35  }
0xcc: {  	v36 =	vld [tilespmem:$0x9D0];
	v9 =	vadd.f32 v12, v9  }
0xcd: {  	v10 =	vsel vm12, $0x0, v10  }
0xce: {  	v37 =	vld [tilespmem:$0x9E0];
	v9 =	vadd.f32 v10, v9  }
0xcf: {  	v10 =	vld [tilespmem:$0x9F0];
	_ =	swait.ge [sflag:s21], $0x80;
	v11 =	vsel vm11, $0x0, v11  }
0xd0: {  	[sflag:s21] =	ssyncset.done $0x0;
	v9 =	vadd.f32 v11, v9  }
0xd1: {  	v11 =	vsel vm10, $0x0, v36;
	[sflag:s21] =	ssyncadd.s32 $0xFFFFFF80  }
0xd2: {  	v9 =	vadd.f32 v11, v9;
	v11 =	vld [tilespmem:$0xA00]  }
0xd3: {  	v38 =	vsel vm9, $0x0, v37  }
0xd4: {  	v39 =	vld [tilespmem:$0xA10];
	v9 =	vadd.f32 v38, v9  }
0xd5: {  	v10 =	vsel vm8, $0x0, v10  }
0xd6: {  	v9 =	vadd.f32 v10, v9;
	v10 =	vld [tilespmem:$0xA20]  }
0xd7: {  	v11 =	vsel vm7, $0x0, v11  }
0xd8: {  	v9 =	vadd.f32 v11, v9;
	v11 =	vld [tilespmem:$0xA30]  }
0xd9: {  	v12 =	vsel vm6, $0x0, v39  }
0xda: {  	v9 =	vadd.f32 v12, v9  }
0xdb: {  	v40 =	vld [tilespmem:$0xA40];
	v10 =	vsel vm5, $0x0, v10  }
0xdc: {  	v41 =	vld [tilespmem:$0xA60];
	v9 =	vadd.f32 v10, v9  }
0xdd: {  	v10 =	vld [tilespmem:$0xA50];
	v11 =	vsel vm4, $0x0, v11  }
0xde: {  	v9 =	vadd.f32 v11, v9;
	v11 =	vld [tilespmem:$0xA70];
	_ =	swait.ge [sflag:s21], $0x80  }
0xdf: {  	v42 =	vld [tilespmem:$0x1FFF0];
	_ =	sdelay $0x1  }
0xe0: {  	v12 =	vsel vm3, $0x0, v40;
	v44 =	vld [tilespmem:$0x1FFE0]  }
0xe1: {  	[sflag:s21] =	ssyncset.done $0x0;
	v9 =	vadd.f32 v12, v9  }
0xe2: {  	v45 =	vld [tilespmem:$0x1FFD0];
	[sflag:s21] =	ssyncadd.s32 $0xFFFFFF80;
	v10 =	vsel vm2, $0x0, v10  }
0xe3: {  	v9 =	vadd.f32 v10, v9;
	v10 =	vld [tilespmem:$0xA80];
	vm0 =	vnez.u8 v42  }
0xe4: {  	v46 =	vld [tilespmem:$0x1FFC0];
	v12 =	vsel vm0, $0x0, v41  }
0xe5: {  	v43 =	vld [tilespmem:$0xA90];
	vm0 =	vnez.u8 v44;
	v9 =	vadd.f32 v12, v9  }
0xe6: {  	v48 =	vld [tilespmem:$0x1FFB0];
	v11 =	vsel vm0, $0x0, v11  }
0xe7: {  	vm0 =	vnez.u8 v45;
	v9 =	vadd.f32 v11, v9;
	v11 =	vld [tilespmem:$0xAA0]  }
0xe8: {  	v49 =	vld [tilespmem:$0x1FFA0];
	v10 =	vsel vm0, $0x0, v10  }
0xe9: {  	vm0 =	vnez.u8 v46;
	v9 =	vadd.f32 v10, v9;
	v10 =	vld [tilespmem:$0xAB0]  }
0xea: {  	v12 =	vsel vm0, $0x0, v43  }
0xeb: {  	v51 =	vld [tilespmem:$0x1FF90];
	vm0 =	vnez.u8 v48;
	v9 =	vadd.f32 v12, v9  }
0xec: {  	v47 =	vld [tilespmem:$0xAC0];
	v11 =	vsel vm0, $0x0, v11  }
0xed: {  	v50 =	vld [tilespmem:$0xAE0];
	vm0 =	vnez.u8 v49;
	v9 =	vadd.f32 v11, v9  }
0xee: {  	v11 =	vld [tilespmem:$0xAD0];
	v10 =	vsel vm0, $0x0, v10  }
0xef: {  	v9 =	vadd.f32 v10, v9;
	v10 =	vld [tilespmem:$0xAF0];
	_ =	swait.ge [sflag:s21], $0x80  }
0xf0: {  	v52 =	vld [tilespmem:$0x1FF80];
	_ =	sdelay $0x1  }
0xf1: {  	v53 =	vld [tilespmem:$0x1FF70]  }
0xf2: {  	vm0 =	vnez.u8 v51  }
0xf3: {  	v12 =	vsel vm0, $0x0, v47;
	v55 =	vld [tilespmem:$0x1FF60]  }
0xf4: {  	[sflag:s21] =	ssyncset.done $0x0;
	v9 =	vadd.f32 v12, v9;
	vm0 =	vnez.u8 v52  }
0xf5: {  	v56 =	vld [tilespmem:$0x1FF50];
	[sflag:s21] =	ssyncadd.s32 $0xFFFFFF80;
	v11 =	vsel vm0, $0x0, v11  }
0xf6: {  	vm0 =	vnez.u8 v53;
	v9 =	vadd.f32 v11, v9;
	v11 =	vld [tilespmem:$0xB00]  }
0xf7: {  	v57 =	vld [tilespmem:$0x1FF40];
	v12 =	vsel vm0, $0x0, v50  }
0xf8: {  	v54 =	vld [tilespmem:$0xB10];
	vm0 =	vnez.u8 v55;
	v9 =	vadd.f32 v12, v9  }
0xf9: {  	v59 =	vld [tilespmem:$0x1FF30];
	v10 =	vsel vm0, $0x0, v10  }
0xfa: {  	vm0 =	vnez.u8 v56;
	v9 =	vadd.f32 v10, v9;
	v10 =	vld [tilespmem:$0xB20]  }
0xfb: {  	v60 =	vld [tilespmem:$0x1FF20];
	v11 =	vsel vm0, $0x0, v11  }
0xfc: {  	vm0 =	vnez.u8 v57;
	v9 =	vadd.f32 v11, v9;
	v11 =	vld [tilespmem:$0xB30]  }
0xfd: {  	v61 =	vld [tilespmem:$0x1FF10];
	v12 =	vsel vm0, $0x0, v54  }
0xfe: {  	v58 =	vld [tilespmem:$0xB40];
	vm0 =	vnez.u8 v59;
	v9 =	vadd.f32 v12, v9  }
0xff: {  	v63 =	vld [tilespmem:$0x1FF00];
	v10 =	vsel vm0, $0x0, v10  }
0x100: {  	vm0 =	vnez.u8 v60;
	v9 =	vadd.f32 v10, v9;
	v10 =	vld [tilespmem:$0xB50]  }
0x101: {  	v11 =	vsel vm0, $0x0, v11  }
0x102: {  	vm0 =	vnez.u8 v61;
	v9 =	vadd.f32 v11, v9  }
0x103: {  	v12 =	vsel vm0, $0x0, v58  }
0x104: {  	vm0 =	vnez.u8 v63;
	v9 =	vadd.f32 v12, v9  }
0x105: {  	v10 =	vsel vm0, $0x0, v10  }
0x106: {  	v9 =	vadd.f32 v10, v9;
	v10 =	vld [tilespmem:$0x1FEF0]  }
0x107: {  	v11 =	vld [tilespmem:$0xB60];
	_ =	sdelay $0x3  }
0x108: {  	vm0 =	vnez.u8 v10  }
0x109: {  	v10 =	vsel vm0, $0x0, v11  }
0x10a: {  	v9 =	vadd.f32 v10, v9;
	v10 =	vld [tilespmem:$0x1FEE0]  }
0x10b: {  	v62 =	vld [tilespmem:$0xB70];
	_ =	sdelay $0x3  }
0x10c: {  	vm0 =	vnez.u8 v10  }
0x10d: {  	v10 =	vsel vm0, $0x0, v62  }
0x10e: {  	v9 =	vadd.f32 v10, v9  }
0x10f: {  	p0 =	sne.s32 s7, $0x1  }
.Ltmp0:
0x110: {  	[tilespmem:$0xD00] =	vst v9;
	(pc) =	sbr.rel @p0 .LBB2_1-.Ltmp0, $4  }
0x111: {  	[hbm4b:s6+s2] =	stream.linear.scatter [tilespmem:s22], [sflag:$0x2], $0x80, $0x38;
	[tilespmem:$0xD80] =	vst v63  }
0x112: {  	_ =	swait.ge [sflag:s8], $0x80  }
0x113: {  	[sflag:s8] =	ssyncset.done $0x0  }
0x114: {  	s7 =	sadd.s32 $0xFFFFFFFF, s7;
	[sflag:s8] =	ssyncadd.s32 $0xFFFFFF80  }
0x115: {  	_ =	sfence.sel $0x180000  }
0x116: {  	[bflag:$0x0] =	sbarrier.arrive $0xFFFF  }
0x117: {  	p0 =	sne.s32 s0, $0x0;
	_ =	strace $0x90000047  }
0x118: {  	s0 =	sadd.s32 @!p0 $0x100000, s1;
	[bflag:$0x2] =	sbarrier.arrive $0xFFFF  }
0x119: {  	[sflag:s0] =	ssyncadd.tile.s32 @!p0 $0x1;
	_ =	shalt  }
.Lfunc_end2:
_tile_overlayer_lowered:
.L_overlay_start_2:
0x11a: {  	(tag) =	ssettag $0x2  }
0x11b: {  	s0 =	rddreg [dreg:$0x0];
	s2 =	stileid.u32  }
0x11c: {  	s1 =	rddreg [dreg:$0x1];
	p0 =	sne.s32 s2, $0x0  }
0x11d: {  	s3 =	rddreg [dreg:$0x2];
	[bflag:$0x3] =	sbarrier.arrive $0xFFFF;
	s2 =	simm.s32 @!p0 $0x1C02  }
0x11e: {  	[timem:s3], [sflag:s2] =	dma.local @!p0 [hbm:s0], s1  }
0x11f: {  	s0 =	simm.s32 @!p0 $0x2  }
0x120: {  	_ =	swait.ge @!p0 [sflag:s0], s1  }
0x121: {  	s1 =	ssub.s32 @!p0 $0x0, s1;
	[sflag:s0] =	ssyncset.done @!p0 $0x0  }
0x122: {  	[sflag:s0] =	ssyncadd.s32 @!p0 s1  }
0x123: {  	[bflag:$0x3] =	sbarrier.arrive $0xFFFF  }
0x124: {  	_ =	shalt  }

</sc_bundles>
